<compile_context>
chip_gen: v7x
topology: tpu7x:2x2x1
jax: 0.10.2.dev20260603
libtpu: 0.0.44.dev20260713+nightly
codegen_flags: <defaults>
</compile_context>

<pallas_src>
import functools

import jax
import jax.numpy as jnp
from jax import lax
from jax.experimental import pallas as pl
from jax.experimental.pallas import tpu as pltpu
from jax.experimental.pallas import tpu_sc as plsc

NUM_CLASSES = 64
N_CTX = 320000
N_TGT = 32768
D = 128
SCALE = 50.0
EPS = 1e-30

NC = 2
NS = 16
NW = NC * NS

CTX_BLOCK = 2560
TGT_BLOCK = 4096

SC_ROWS = 225280
SC_BLOCKS = SC_ROWS // CTX_BLOCK
CHUNK = 128
RPW = SC_ROWS // NW
NCHUNK = RPW // CHUNK



_sc_mesh = plsc.VectorSubcoreMesh(core_axis_name="c", subcore_axis_name="s")


@functools.partial(
    pl.kernel,
    mesh=_sc_mesh,
    out_type=jax.ShapeDtypeStruct((NC, NUM_CLASSES, D), jnp.float32),
    scratch_types=[
        pltpu.VMEM((CHUNK,), jnp.int32),
        pltpu.VMEM((CHUNK,), jnp.int32),
        pltpu.VMEM((CHUNK, D), jnp.float32),
        pltpu.VMEM((CHUNK, D), jnp.float32),
        pltpu.VMEM((NUM_CLASSES, D), jnp.float32),
        pltpu.VMEM_SHARED((NUM_CLASSES, D), jnp.float32),
        pltpu.SemaphoreType.DMA,
        pltpu.SemaphoreType.DMA,
        pltpu.SemaphoreType.DMA,
        pltpu.SemaphoreType.DMA,
    ],
)
def _sc_segment_sum(ctx_hbm, lab_hbm, sums_hbm,
                    idx0, idx1, rows0, rows1, zsum_v,
                    acc_sh, semr0, semr1, semi0, semi1):
    c = lax.axis_index("c")
    s = lax.axis_index("s")
    wid = s * NC + c

    @pl.when(s == 0)
    def _():
        def zsrow(i, _):
            def zscol(j, _):
                zsum_v[i, pl.ds(j * 16, 16)] = jnp.zeros((16,), jnp.float32)
                return 0
            lax.fori_loop(0, D // 16, zscol, 0)
            return 0
        lax.fori_loop(0, NUM_CLASSES, zsrow, 0)
        pltpu.sync_copy(zsum_v, acc_sh)

    plsc.subcore_barrier()

    base = wid * RPW
    idxs = (idx0, idx1)
    bufs = (rows0, rows1)
    semr = (semr0, semr1)
    semi = (semi0, semi1)

    def _start(chunk, b):
        off = pl.multiple_of(base + chunk * CHUNK, CHUNK)
        pltpu.async_copy(lab_hbm.at[pl.ds(off, CHUNK)], idxs[b], semi[b])
        pltpu.async_copy(ctx_hbm.at[pl.ds(off, CHUNK)], bufs[b], semr[b])

    def _consume(b):
        pltpu.make_async_copy(lab_hbm.at[pl.ds(0, CHUNK)], idxs[b], semi[b]).wait()
        pltpu.make_async_copy(ctx_hbm.at[pl.ds(0, CHUNK)], bufs[b], semr[b]).wait()
        pltpu.sync_copy(bufs[b], acc_sh.at[idxs[b]], add=True)

    _start(0, 0)
    _start(1, 1)

    def ring(i, _):
        k = i * 2
        for b in range(2):
            _consume(b)
            off = pl.multiple_of(base + (k + b + 2) * CHUNK, CHUNK)
            pltpu.async_copy(lab_hbm.at[pl.ds(off, CHUNK)], idxs[b], semi[b])
            pltpu.async_copy(ctx_hbm.at[pl.ds(off, CHUNK)], bufs[b], semr[b])
        return 0
    lax.fori_loop(0, (NCHUNK - 3) // 2, ring, 0)

    _consume(0)
    _start(NCHUNK - 1, 0)
    _consume(1)
    _consume(0)

    plsc.subcore_barrier()

    @pl.when(s == 0)
    def _():
        pltpu.sync_copy(acc_sh, sums_hbm.at[c])



def _seg_kernel(lab_ref, ctx_ref, sums_ref, counts_ref):
    @pl.when(pl.program_id(0) == 0)
    def _():
        sums_ref[...] = jnp.zeros_like(sums_ref)
        counts_ref[...] = jnp.zeros_like(counts_ref)

    lab = lab_ref[pl.ds(pl.program_id(0) * CTX_BLOCK, CTX_BLOCK)
                  ].reshape(1, CTX_BLOCK)
    onehot_t = (jax.lax.broadcasted_iota(jnp.int32, (NUM_CLASSES, CTX_BLOCK), 0)
                == lab).astype(jnp.bfloat16)
    ones_rd = jnp.ones((CTX_BLOCK, D), dtype=jnp.bfloat16)
    counts_ref[...] += jax.lax.dot_general(
        onehot_t, ones_rd, (((1,), (0,)), ((), ())),
        preferred_element_type=jnp.float32)

    @pl.when(pl.program_id(0) >= SC_BLOCKS)
    def _():
        ctx = ctx_ref[...]
        sums_ref[...] += jax.lax.dot_general(
            onehot_t, ctx, (((1,), (0,)), ((), ())),
            preferred_element_type=jnp.float32)


def _logit_kernel(sums_ref, counts_ref, scs_ref, tgt_ref,
                  logits_ref, means_ref):
    sums = sums_ref[...] + scs_ref[0] + scs_ref[1]
    counts = counts_ref[:, 0:1]
    means = sums / jnp.maximum(counts, 1.0)
    means_ref[...] = means
    m_norm = jnp.maximum(
        jnp.sqrt(jnp.sum(means * means, axis=1, keepdims=True)), EPS)
    means_scaled = means * (SCALE / m_norm)
    t = tgt_ref[...]
    ones_cd = jnp.ones((NUM_CLASSES, D), dtype=jnp.float32)
    nsq_t = jax.lax.dot_general(
        ones_cd, t * t, (((1,), (1,)), ((), ())),
        preferred_element_type=jnp.float32)
    inv_t = jax.lax.rsqrt(jnp.maximum(nsq_t, 1e-37))
    dots_t = jax.lax.dot_general(
        means_scaled, t, (((1,), (1,)), ((), ())),
        preferred_element_type=jnp.float32)
    logits_ref[...] = dots_t * inv_t


@jax.jit
def kernel(context_features, context_labels, target_features):
    sc_sums = _sc_segment_sum(context_features, context_labels)

    n_blocks = N_CTX // CTX_BLOCK
    sums, counts = pl.pallas_call(
        _seg_kernel,
        grid=(n_blocks,),
        in_specs=[
            pl.BlockSpec((N_CTX,), lambda i: (0,)),
            pl.BlockSpec((CTX_BLOCK, D),
                         lambda i: (jnp.maximum(i, SC_BLOCKS), 0)),
        ],
        out_specs=[
            pl.BlockSpec((NUM_CLASSES, D), lambda i: (0, 0)),
            pl.BlockSpec((NUM_CLASSES, D), lambda i: (0, 0)),
        ],
        out_shape=[
            jax.ShapeDtypeStruct((NUM_CLASSES, D), jnp.float32),
            jax.ShapeDtypeStruct((NUM_CLASSES, D), jnp.float32),
        ],
    )(context_labels, context_features)

    t_blocks = N_TGT // TGT_BLOCK
    logits, means = pl.pallas_call(
        _logit_kernel,
        grid=(t_blocks,),
        in_specs=[
            pl.BlockSpec((NUM_CLASSES, D), lambda i: (0, 0)),
            pl.BlockSpec((NUM_CLASSES, D), lambda i: (0, 0)),
            pl.BlockSpec((NC, NUM_CLASSES, D), lambda i: (0, 0, 0)),
            pl.BlockSpec((TGT_BLOCK, D), lambda i: (i, 0)),
        ],
        out_specs=[
            pl.BlockSpec((NUM_CLASSES, TGT_BLOCK), lambda i: (0, i)),
            pl.BlockSpec((NUM_CLASSES, D), lambda i: (0, 0)),
        ],
        out_shape=[
            jax.ShapeDtypeStruct((NUM_CLASSES, N_TGT), jnp.float32),
            jax.ShapeDtypeStruct((NUM_CLASSES, D), jnp.float32),
        ],
    )(sums, counts, sc_sums, target_features)
    return (logits.T, means)

# --- scband reference (transcript-rebuilt; emitter-appended) ---
"""Pipeline reference for scband-metric-classifier-53584011985262 (READ-ONLY COPY).

The authoritative reference and input builder live on the scoring server;
editing this copy changes nothing except your own understanding.
"""

import jax, jax.numpy as jnp
import numpy as np

NUM_CLASSES = 64
N_CTX = 320000
N_TGT = 32768
D = 128
SCALE = 50.0
EPS = 1e-30


def setup_inputs(seed: int = 0) -> dict:
    key = jax.random.key(seed)
    k1, k2, k3 = jax.random.split(key, 3)
    context_features = jax.random.normal(k1, (N_CTX, D), dtype=jnp.float32)
    context_labels = jax.random.randint(k2, (N_CTX,), 0, NUM_CLASSES, dtype=jnp.int32)
    target_features = jax.random.normal(k3, (N_TGT, D), dtype=jnp.float32)
    return {
        "context_features": context_features,
        "context_labels": context_labels,
        "target_features": target_features,
    }


def reference(context_features, context_labels, target_features):
    # _build_class_reps_and_covariance_estimates: per-class mean pooling.
    # torch iterates torch.unique(labels) (sorted) and stacks mean features per class.
    # With all 64 classes present (guaranteed statistically with 320k random labels),
    # this is exactly a segment-mean over segment ids 0..NUM_CLASSES-1.
    sums = jax.ops.segment_sum(context_features, context_labels, num_segments=NUM_CLASSES)
    counts = jax.ops.segment_sum(
        jnp.ones((context_features.shape[0],), dtype=context_features.dtype),
        context_labels,
        num_segments=NUM_CLASSES,
    )
    class_means = sums / jnp.maximum(counts, 1.0)[:, None]  # [C, D]

    # distance == 'cosine': F.cosine_similarity(targets[:,None,:], means[None,:,:], dim=-1, eps=1e-30) * 50
    # torch clamps each norm at eps independently.
    t_norm = jnp.maximum(jnp.linalg.norm(target_features, axis=-1, keepdims=True), EPS)  # [T,1]
    m_norm = jnp.maximum(jnp.linalg.norm(class_means, axis=-1, keepdims=True), EPS)      # [C,1]
    dots = target_features @ class_means.T  # [T, C]
    sample_logits = dots / (t_norm * m_norm.T) * SCALE
    return (sample_logits, class_means)

if __name__ == "__main__":
    import jax
    _d = setup_inputs()
    print(jax.jit(kernel)(*tuple(_d.values())))

</pallas_src>

<mosaic_0001>
#map = affine_map<(d0, d1) -> (0, 0)>
#map1 = affine_map<(d0, d1) -> (0)>
#map2 = affine_map<(d0, d1) -> (0, 0, 0)>
module attributes {stable_mosaic.version = 14 : i64} {
  func.func @_sc_segment_sum(%arg0: i32, %arg1: i32, %arg2: memref<320000x128xf32, #tpu.memory_space<hbm>>, %arg3: memref<320000xi32, #tpu.memory_space<hbm>>, %arg4: memref<2x64x128xf32, #tpu.memory_space<hbm>>, %arg5: memref<128xi32, #tpu.memory_space<vmem>>, %arg6: memref<128xi32, #tpu.memory_space<vmem>>, %arg7: memref<128x128xf32, #tpu.memory_space<vmem>>, %arg8: memref<128x128xf32, #tpu.memory_space<vmem>>, %arg9: memref<64x128xf32, #tpu.memory_space<vmem>>, %arg10: memref<64x128xf32, #tpu.memory_space<vmem_shared>>, %arg11: memref<!tpu.dma_semaphore, #tpu.memory_space<semaphore_mem>>, %arg12: memref<!tpu.dma_semaphore, #tpu.memory_space<semaphore_mem>>, %arg13: memref<!tpu.dma_semaphore, #tpu.memory_space<semaphore_mem>>, %arg14: memref<!tpu.dma_semaphore, #tpu.memory_space<semaphore_mem>>) attributes {dimension_semantics = [#tpu.dimension_semantics<core_parallel>, #tpu.dimension_semantics<subcore_parallel>], iteration_bounds = array<i64: 2, 16>, scalar_prefetch = 0 : i64, scratch_operands = 10 : i64, tpu.core_type = #tpu.core_type<sc_vector_subcore>, window_params = [{transform_indices = #map}, {transform_indices = #map1}, {transform_indices = #map2}]} {
    %mul3A = arith.constant 2 : i32
    %mul3A_0 = arith.muli %arg1, %mul3A : i32
    %add3A = arith.addi %mul3A_0, %arg0 : i32
    %eq3A = arith.constant 0 : i32
    %eq3A_1 = arith.cmpi eq, %arg1, %eq3A : i32
    %convert_element_type3A = arith.extui %eq3A_1 : i1 to i32
    %cond3A = arith.constant 0 : i32
    %cond3A_2 = arith.cmpi ne, %convert_element_type3A, %cond3A : i32
    scf.if %cond3A_2 {
      %scan3A_71 = arith.constant 0 : i32
      %scan3A_72 = arith.constant 0 : i32
      %scan3A_73 = arith.constant 64 : i32
      %scan3A_74 = arith.addi %scan3A_72, %scan3A_73 : i32
      %scan3A_75 = arith.constant 1 : i32
      %scan3A_76 = scf.for %scan3A_78 = %scan3A_72 to %scan3A_74 step %scan3A_75 iter_args(%scan3A_79 = %scan3A_71) -> (i32)  : i32 {
        %scan3A_80 = arith.constant 0 : i32
        %scan3A_81 = arith.constant 0 : i32
        %scan3A_82 = arith.constant 8 : i32
        %scan3A_83 = arith.addi %scan3A_81, %scan3A_82 : i32
        %scan3A_84 = arith.constant 1 : i32
        %scan3A_85 = scf.for %scan3A_88 = %scan3A_81 to %scan3A_83 step %scan3A_84 iter_args(%scan3A_89 = %scan3A_80) -> (i32)  : i32 {
          %broadcast_in_dim3A = arith.constant 0.000000e+00 : f32
          %broadcast_in_dim3A_90 = vector.broadcast %broadcast_in_dim3A : f32 to vector<16xf32>
          %mul3A_91 = arith.constant 16 : i32
          %mul3A_92 = arith.muli %scan3A_88, %mul3A_91 : i32
          %swap3A = arith.index_cast %scan3A_78 : i32 to index
          %swap3A_93 = arith.index_cast %mul3A_92 : i32 to index
          %swap3A_94 = tpu.vector_load %arg9[%swap3A, %swap3A_93] {strides = array<i32>} : memref<64x128xf32, #tpu.memory_space<vmem>>, vector<1x16xf32>,
          %swap3A_95 = vector.shape_cast %swap3A_94 : vector<1x16xf32> to vector<16xf32>
          %swap3A_96 = vector.shape_cast %broadcast_in_dim3A_90 : vector<16xf32> to vector<1x16xf32>
          tpu.vector_store %arg9[%swap3A, %swap3A_93], %swap3A_96 {strides = array<i32>} : memref<64x128xf32, #tpu.memory_space<vmem>>, vector<1x16xf32>,
          %scan3A_97 = arith.constant 0 : i32
          scf.yield %scan3A_97 : i32
        }
        %scan3A_86 = arith.constant 8 : i32
        %scan3A_87 = arith.constant 0 : i32
        scf.yield %scan3A_87 : i32
      }
      %scan3A_77 = arith.constant 64 : i32
      "tpu.region"() ({
        %run_scoped3A = tpu.sem_alloc : memref<!tpu.dma_semaphore, #tpu.memory_space<semaphore_mem>>
        tpu.enqueue_dma source(%arg9 : memref<64x128xf32, #tpu.memory_space<vmem>>) target(%arg10 : memref<64x128xf32, #tpu.memory_space<vmem_shared>>) target_semaphore(%run_scoped3A : memref<!tpu.dma_semaphore, #tpu.memory_space<semaphore_mem>>)
        tpu.wait_dma2 semaphore(%run_scoped3A : memref<!tpu.dma_semaphore, #tpu.memory_space<semaphore_mem>>) src(%arg9 : memref<64x128xf32, #tpu.memory_space<vmem>>) dst(%arg10 : memref<64x128xf32, #tpu.memory_space<vmem_shared>>)
        tpu.yield
      }) : () -> ()
    } else {
    }
    %barrier3A = arith.constant 0 : index
    tpu.barrier barrier_id(%barrier3A)
    %mul3A_3 = arith.constant 7040 : i32
    %mul3A_4 = arith.muli %add3A, %mul3A_3 : i32
    %add3A_5 = arith.constant 0 : i32
    %add3A_6 = arith.addi %mul3A_4, %add3A_5 : i32
    %multiple_of3A = tpu.assume_multiple %add3A_6, 128 : i32
    %dma_start3A = tpu.memref_slice %arg3[%multiple_of3A] : memref<320000xi32, #tpu.memory_space<hbm>> -> memref<128xi32, #tpu.memory_space<hbm>>
    %dma_start3A_7 = tpu.memref_slice %arg3[%multiple_of3A] : memref<320000xi32, #tpu.memory_space<hbm>> -> memref<128xi32, #tpu.memory_space<hbm>>
    tpu.enqueue_dma source(%dma_start3A_7 : memref<128xi32, #tpu.memory_space<hbm>>) target(%arg5 : memref<128xi32, #tpu.memory_space<vmem>>) target_semaphore(%arg13 : memref<!tpu.dma_semaphore, #tpu.memory_space<semaphore_mem>>)
    %dma_start3A_8 = arith.constant 0 : i32
    %dma_start3A_9 = tpu.memref_slice %arg2[%multiple_of3A, %dma_start3A_8] : memref<320000x128xf32, #tpu.memory_space<hbm>> -> memref<128x128xf32, #tpu.memory_space<hbm>>
    %dma_start3A_10 = arith.constant 0 : i32
    %dma_start3A_11 = tpu.memref_slice %arg2[%multiple_of3A, %dma_start3A_10] : memref<320000x128xf32, #tpu.memory_space<hbm>> -> memref<128x128xf32, #tpu.memory_space<hbm>>
    tpu.enqueue_dma source(%dma_start3A_11 : memref<128x128xf32, #tpu.memory_space<hbm>>) target(%arg7 : memref<128x128xf32, #tpu.memory_space<vmem>>) target_semaphore(%arg11 : memref<!tpu.dma_semaphore, #tpu.memory_space<semaphore_mem>>)
    %add3A_12 = arith.constant 128 : i32
    %add3A_13 = arith.addi %mul3A_4, %add3A_12 : i32
    %multiple_of3A_14 = tpu.assume_multiple %add3A_13, 128 : i32
    %dma_start3A_15 = tpu.memref_slice %arg3[%multiple_of3A_14] : memref<320000xi32, #tpu.memory_space<hbm>> -> memref<128xi32, #tpu.memory_space<hbm>>
    %dma_start3A_16 = tpu.memref_slice %arg3[%multiple_of3A_14] : memref<320000xi32, #tpu.memory_space<hbm>> -> memref<128xi32, #tpu.memory_space<hbm>>
    tpu.enqueue_dma source(%dma_start3A_16 : memref<128xi32, #tpu.memory_space<hbm>>) target(%arg6 : memref<128xi32, #tpu.memory_space<vmem>>) target_semaphore(%arg14 : memref<!tpu.dma_semaphore, #tpu.memory_space<semaphore_mem>>)
    %dma_start3A_17 = arith.constant 0 : i32
    %dma_start3A_18 = tpu.memref_slice %arg2[%multiple_of3A_14, %dma_start3A_17] : memref<320000x128xf32, #tpu.memory_space<hbm>> -> memref<128x128xf32, #tpu.memory_space<hbm>>
    %dma_start3A_19 = arith.constant 0 : i32
    %dma_start3A_20 = tpu.memref_slice %arg2[%multiple_of3A_14, %dma_start3A_19] : memref<320000x128xf32, #tpu.memory_space<hbm>> -> memref<128x128xf32, #tpu.memory_space<hbm>>
    tpu.enqueue_dma source(%dma_start3A_20 : memref<128x128xf32, #tpu.memory_space<hbm>>) target(%arg8 : memref<128x128xf32, #tpu.memory_space<vmem>>) target_semaphore(%arg12 : memref<!tpu.dma_semaphore, #tpu.memory_space<semaphore_mem>>)
    %scan3A = arith.constant 0 : i32
    %scan3A_21 = arith.constant 0 : i32
    %scan3A_22 = arith.constant 26 : i32
    %scan3A_23 = arith.addi %scan3A_21, %scan3A_22 : i32
    %scan3A_24 = arith.constant 1 : i32
    %scan3A_25 = scf.for %scan3A_71 = %scan3A_21 to %scan3A_23 step %scan3A_24 iter_args(%scan3A_72 = %scan3A) -> (i32)  : i32 {
      %mul3A_73 = arith.constant 2 : i32
      %mul3A_74 = arith.muli %scan3A_71, %mul3A_73 : i32
      %dma_wait3A_75 = arith.constant 0 : i32
      %dma_wait3A_76 = tpu.memref_slice %arg3[%dma_wait3A_75] : memref<320000xi32, #tpu.memory_space<hbm>> -> memref<128xi32, #tpu.memory_space<hbm>>
      %dma_wait3A_77 = arith.constant 0 : i32
      %dma_wait3A_78 = tpu.memref_slice %arg3[%dma_wait3A_77] : memref<320000xi32, #tpu.memory_space<hbm>> -> memref<128xi32, #tpu.memory_space<hbm>>
      tpu.wait_dma2 semaphore(%arg13 : memref<!tpu.dma_semaphore, #tpu.memory_space<semaphore_mem>>) src(%dma_wait3A_78 : memref<128xi32, #tpu.memory_space<hbm>>) dst(%arg5 : memref<128xi32, #tpu.memory_space<vmem>>)
      %dma_wait3A_79 = arith.constant 0 : i32
      %dma_wait3A_80 = arith.constant 0 : i32
      %dma_wait3A_81 = tpu.memref_slice %arg2[%dma_wait3A_79, %dma_wait3A_80] : memref<320000x128xf32, #tpu.memory_space<hbm>> -> memref<128x128xf32, #tpu.memory_space<hbm>>
      %dma_wait3A_82 = arith.constant 0 : i32
      %dma_wait3A_83 = arith.constant 0 : i32
      %dma_wait3A_84 = tpu.memref_slice %arg2[%dma_wait3A_82, %dma_wait3A_83] : memref<320000x128xf32, #tpu.memory_space<hbm>> -> memref<128x128xf32, #tpu.memory_space<hbm>>
      tpu.wait_dma2 semaphore(%arg11 : memref<!tpu.dma_semaphore, #tpu.memory_space<semaphore_mem>>) src(%dma_wait3A_84 : memref<128x128xf32, #tpu.memory_space<hbm>>) dst(%arg7 : memref<128x128xf32, #tpu.memory_space<vmem>>)
      "tpu.region"() ({
        %run_scoped3A = tpu.sem_alloc : memref<!tpu.dma_semaphore, #tpu.memory_space<semaphore_mem>>
        %dma_start3A_124 = arith.constant 0 : i32
        %dma_start3A_125 = arith.constant 0 : i32
        %dma_start3A_126 = tpu.memref_slice %arg10[%dma_start3A_124, %dma_start3A_125] : memref<64x128xf32, #tpu.memory_space<vmem_shared>> -> memref<64x128xf32, #tpu.memory_space<vmem_shared>>
        tpu.enqueue_indirect_dma source(%arg7 : memref<128x128xf32, #tpu.memory_space<vmem>>) target(%dma_start3A_126 : memref<64x128xf32, #tpu.memory_space<vmem_shared>>) offsets(%arg5 : memref<128xi32, #tpu.memory_space<vmem>>) semaphore(%run_scoped3A : memref<!tpu.dma_semaphore, #tpu.memory_space<semaphore_mem>>) {add = true}
        %dma_wait3A_127 = arith.constant 0 : i32
        %dma_wait3A_128 = arith.constant 0 : i32
        %dma_wait3A_129 = tpu.memref_slice %arg10[%dma_wait3A_127, %dma_wait3A_128] : memref<64x128xf32, #tpu.memory_space<vmem_shared>> -> memref<64x128xf32, #tpu.memory_space<vmem_shared>>
        tpu.wait_indirect_dma semaphore(%run_scoped3A : memref<!tpu.dma_semaphore, #tpu.memory_space<semaphore_mem>>) src(%arg7 : memref<128x128xf32, #tpu.memory_space<vmem>>) dst(%dma_wait3A_129 : memref<64x128xf32, #tpu.memory_space<vmem_shared>>)
        tpu.yield
      }) : () -> ()
      %add3A_85 = arith.constant 0 : i32
      %add3A_86 = arith.addi %mul3A_74, %add3A_85 : i32
      %add3A_87 = arith.constant 2 : i32
      %add3A_88 = arith.addi %add3A_86, %add3A_87 : i32
      %mul3A_89 = arith.constant 128 : i32
      %mul3A_90 = arith.muli %add3A_88, %mul3A_89 : i32
      %add3A_91 = arith.addi %mul3A_4, %mul3A_90 : i32
      %multiple_of3A_92 = tpu.assume_multiple %add3A_91, 128 : i32
      %dma_start3A_93 = tpu.memref_slice %arg3[%multiple_of3A_92] : memref<320000xi32, #tpu.memory_space<hbm>> -> memref<128xi32, #tpu.memory_space<hbm>>
      %dma_start3A_94 = tpu.memref_slice %arg3[%multiple_of3A_92] : memref<320000xi32, #tpu.memory_space<hbm>> -> memref<128xi32, #tpu.memory_space<hbm>>
      tpu.enqueue_dma source(%dma_start3A_94 : memref<128xi32, #tpu.memory_space<hbm>>) target(%arg5 : memref<128xi32, #tpu.memory_space<vmem>>) target_semaphore(%arg13 : memref<!tpu.dma_semaphore, #tpu.memory_space<semaphore_mem>>)
      %dma_start3A_95 = arith.constant 0 : i32
      %dma_start3A_96 = tpu.memref_slice %arg2[%multiple_of3A_92, %dma_start3A_95] : memref<320000x128xf32, #tpu.memory_space<hbm>> -> memref<128x128xf32, #tpu.memory_space<hbm>>
      %dma_start3A_97 = arith.constant 0 : i32
      %dma_start3A_98 = tpu.memref_slice %arg2[%multiple_of3A_92, %dma_start3A_97] : memref<320000x128xf32, #tpu.memory_space<hbm>> -> memref<128x128xf32, #tpu.memory_space<hbm>>
      tpu.enqueue_dma source(%dma_start3A_98 : memref<128x128xf32, #tpu.memory_space<hbm>>) target(%arg7 : memref<128x128xf32, #tpu.memory_space<vmem>>) target_semaphore(%arg11 : memref<!tpu.dma_semaphore, #tpu.memory_space<semaphore_mem>>)
      %dma_wait3A_99 = arith.constant 0 : i32
      %dma_wait3A_100 = tpu.memref_slice %arg3[%dma_wait3A_99] : memref<320000xi32, #tpu.memory_space<hbm>> -> memref<128xi32, #tpu.memory_space<hbm>>
      %dma_wait3A_101 = arith.constant 0 : i32
      %dma_wait3A_102 = tpu.memref_slice %arg3[%dma_wait3A_101] : memref<320000xi32, #tpu.memory_space<hbm>> -> memref<128xi32, #tpu.memory_space<hbm>>
      tpu.wait_dma2 semaphore(%arg14 : memref<!tpu.dma_semaphore, #tpu.memory_space<semaphore_mem>>) src(%dma_wait3A_102 : memref<128xi32, #tpu.memory_space<hbm>>) dst(%arg6 : memref<128xi32, #tpu.memory_space<vmem>>)
      %dma_wait3A_103 = arith.constant 0 : i32
      %dma_wait3A_104 = arith.constant 0 : i32
      %dma_wait3A_105 = tpu.memref_slice %arg2[%dma_wait3A_103, %dma_wait3A_104] : memref<320000x128xf32, #tpu.memory_space<hbm>> -> memref<128x128xf32, #tpu.memory_space<hbm>>
      %dma_wait3A_106 = arith.constant 0 : i32
      %dma_wait3A_107 = arith.constant 0 : i32
      %dma_wait3A_108 = tpu.memref_slice %arg2[%dma_wait3A_106, %dma_wait3A_107] : memref<320000x128xf32, #tpu.memory_space<hbm>> -> memref<128x128xf32, #tpu.memory_space<hbm>>
      tpu.wait_dma2 semaphore(%arg12 : memref<!tpu.dma_semaphore, #tpu.memory_space<semaphore_mem>>) src(%dma_wait3A_108 : memref<128x128xf32, #tpu.memory_space<hbm>>) dst(%arg8 : memref<128x128xf32, #tpu.memory_space<vmem>>)
      "tpu.region"() ({
        %run_scoped3A = tpu.sem_alloc : memref<!tpu.dma_semaphore, #tpu.memory_space<semaphore_mem>>
        %dma_start3A_124 = arith.constant 0 : i32
        %dma_start3A_125 = arith.constant 0 : i32
        %dma_start3A_126 = tpu.memref_slice %arg10[%dma_start3A_124, %dma_start3A_125] : memref<64x128xf32, #tpu.memory_space<vmem_shared>> -> memref<64x128xf32, #tpu.memory_space<vmem_shared>>
        tpu.enqueue_indirect_dma source(%arg8 : memref<128x128xf32, #tpu.memory_space<vmem>>) target(%dma_start3A_126 : memref<64x128xf32, #tpu.memory_space<vmem_shared>>) offsets(%arg6 : memref<128xi32, #tpu.memory_space<vmem>>) semaphore(%run_scoped3A : memref<!tpu.dma_semaphore, #tpu.memory_space<semaphore_mem>>) {add = true}
        %dma_wait3A_127 = arith.constant 0 : i32
        %dma_wait3A_128 = arith.constant 0 : i32
        %dma_wait3A_129 = tpu.memref_slice %arg10[%dma_wait3A_127, %dma_wait3A_128] : memref<64x128xf32, #tpu.memory_space<vmem_shared>> -> memref<64x128xf32, #tpu.memory_space<vmem_shared>>
        tpu.wait_indirect_dma semaphore(%run_scoped3A : memref<!tpu.dma_semaphore, #tpu.memory_space<semaphore_mem>>) src(%arg8 : memref<128x128xf32, #tpu.memory_space<vmem>>) dst(%dma_wait3A_129 : memref<64x128xf32, #tpu.memory_space<vmem_shared>>)
        tpu.yield
      }) : () -> ()
      %add3A_109 = arith.constant 1 : i32
      %add3A_110 = arith.addi %mul3A_74, %add3A_109 : i32
      %add3A_111 = arith.constant 2 : i32
      %add3A_112 = arith.addi %add3A_110, %add3A_111 : i32
      %mul3A_113 = arith.constant 128 : i32
      %mul3A_114 = arith.muli %add3A_112, %mul3A_113 : i32
      %add3A_115 = arith.addi %mul3A_4, %mul3A_114 : i32
      %multiple_of3A_116 = tpu.assume_multiple %add3A_115, 128 : i32
      %dma_start3A_117 = tpu.memref_slice %arg3[%multiple_of3A_116] : memref<320000xi32, #tpu.memory_space<hbm>> -> memref<128xi32, #tpu.memory_space<hbm>>
      %dma_start3A_118 = tpu.memref_slice %arg3[%multiple_of3A_116] : memref<320000xi32, #tpu.memory_space<hbm>> -> memref<128xi32, #tpu.memory_space<hbm>>
      tpu.enqueue_dma source(%dma_start3A_118 : memref<128xi32, #tpu.memory_space<hbm>>) target(%arg6 : memref<128xi32, #tpu.memory_space<vmem>>) target_semaphore(%arg14 : memref<!tpu.dma_semaphore, #tpu.memory_space<semaphore_mem>>)
      %dma_start3A_119 = arith.constant 0 : i32
      %dma_start3A_120 = tpu.memref_slice %arg2[%multiple_of3A_116, %dma_start3A_119] : memref<320000x128xf32, #tpu.memory_space<hbm>> -> memref<128x128xf32, #tpu.memory_space<hbm>>
      %dma_start3A_121 = arith.constant 0 : i32
      %dma_start3A_122 = tpu.memref_slice %arg2[%multiple_of3A_116, %dma_start3A_121] : memref<320000x128xf32, #tpu.memory_space<hbm>> -> memref<128x128xf32, #tpu.memory_space<hbm>>
      tpu.enqueue_dma source(%dma_start3A_122 : memref<128x128xf32, #tpu.memory_space<hbm>>) target(%arg8 : memref<128x128xf32, #tpu.memory_space<vmem>>) target_semaphore(%arg12 : memref<!tpu.dma_semaphore, #tpu.memory_space<semaphore_mem>>)
      %scan3A_123 = arith.constant 0 : i32
      scf.yield %scan3A_123 : i32
    }
    %scan3A_26 = arith.constant 26 : i32
    %dma_wait3A = arith.constant 0 : i32
    %dma_wait3A_27 = tpu.memref_slice %arg3[%dma_wait3A] : memref<320000xi32, #tpu.memory_space<hbm>> -> memref<128xi32, #tpu.memory_space<hbm>>
    %dma_wait3A_28 = arith.constant 0 : i32
    %dma_wait3A_29 = tpu.memref_slice %arg3[%dma_wait3A_28] : memref<320000xi32, #tpu.memory_space<hbm>> -> memref<128xi32, #tpu.memory_space<hbm>>
    tpu.wait_dma2 semaphore(%arg13 : memref<!tpu.dma_semaphore, #tpu.memory_space<semaphore_mem>>) src(%dma_wait3A_29 : memref<128xi32, #tpu.memory_space<hbm>>) dst(%arg5 : memref<128xi32, #tpu.memory_space<vmem>>)
    %dma_wait3A_30 = arith.constant 0 : i32
    %dma_wait3A_31 = arith.constant 0 : i32
    %dma_wait3A_32 = tpu.memref_slice %arg2[%dma_wait3A_30, %dma_wait3A_31] : memref<320000x128xf32, #tpu.memory_space<hbm>> -> memref<128x128xf32, #tpu.memory_space<hbm>>
    %dma_wait3A_33 = arith.constant 0 : i32
    %dma_wait3A_34 = arith.constant 0 : i32
    %dma_wait3A_35 = tpu.memref_slice %arg2[%dma_wait3A_33, %dma_wait3A_34] : memref<320000x128xf32, #tpu.memory_space<hbm>> -> memref<128x128xf32, #tpu.memory_space<hbm>>
    tpu.wait_dma2 semaphore(%arg11 : memref<!tpu.dma_semaphore, #tpu.memory_space<semaphore_mem>>) src(%dma_wait3A_35 : memref<128x128xf32, #tpu.memory_space<hbm>>) dst(%arg7 : memref<128x128xf32, #tpu.memory_space<vmem>>)
    "tpu.region"() ({
      %run_scoped3A = tpu.sem_alloc : memref<!tpu.dma_semaphore, #tpu.memory_space<semaphore_mem>>
      %dma_start3A_71 = arith.constant 0 : i32
      %dma_start3A_72 = arith.constant 0 : i32
      %dma_start3A_73 = tpu.memref_slice %arg10[%dma_start3A_71, %dma_start3A_72] : memref<64x128xf32, #tpu.memory_space<vmem_shared>> -> memref<64x128xf32, #tpu.memory_space<vmem_shared>>
      tpu.enqueue_indirect_dma source(%arg7 : memref<128x128xf32, #tpu.memory_space<vmem>>) target(%dma_start3A_73 : memref<64x128xf32, #tpu.memory_space<vmem_shared>>) offsets(%arg5 : memref<128xi32, #tpu.memory_space<vmem>>) semaphore(%run_scoped3A : memref<!tpu.dma_semaphore, #tpu.memory_space<semaphore_mem>>) {add = true}
      %dma_wait3A_74 = arith.constant 0 : i32
      %dma_wait3A_75 = arith.constant 0 : i32
      %dma_wait3A_76 = tpu.memref_slice %arg10[%dma_wait3A_74, %dma_wait3A_75] : memref<64x128xf32, #tpu.memory_space<vmem_shared>> -> memref<64x128xf32, #tpu.memory_space<vmem_shared>>
      tpu.wait_indirect_dma semaphore(%run_scoped3A : memref<!tpu.dma_semaphore, #tpu.memory_space<semaphore_mem>>) src(%arg7 : memref<128x128xf32, #tpu.memory_space<vmem>>) dst(%dma_wait3A_76 : memref<64x128xf32, #tpu.memory_space<vmem_shared>>)
      tpu.yield
    }) : () -> ()
    %add3A_36 = arith.constant 6912 : i32
    %add3A_37 = arith.addi %mul3A_4, %add3A_36 : i32
    %multiple_of3A_38 = tpu.assume_multiple %add3A_37, 128 : i32
    %dma_start3A_39 = tpu.memref_slice %arg3[%multiple_of3A_38] : memref<320000xi32, #tpu.memory_space<hbm>> -> memref<128xi32, #tpu.memory_space<hbm>>
    %dma_start3A_40 = tpu.memref_slice %arg3[%multiple_of3A_38] : memref<320000xi32, #tpu.memory_space<hbm>> -> memref<128xi32, #tpu.memory_space<hbm>>
    tpu.enqueue_dma source(%dma_start3A_40 : memref<128xi32, #tpu.memory_space<hbm>>) target(%arg5 : memref<128xi32, #tpu.memory_space<vmem>>) target_semaphore(%arg13 : memref<!tpu.dma_semaphore, #tpu.memory_space<semaphore_mem>>)
    %dma_start3A_41 = arith.constant 0 : i32
    %dma_start3A_42 = tpu.memref_slice %arg2[%multiple_of3A_38, %dma_start3A_41] : memref<320000x128xf32, #tpu.memory_space<hbm>> -> memref<128x128xf32, #tpu.memory_space<hbm>>
    %dma_start3A_43 = arith.constant 0 : i32
    %dma_start3A_44 = tpu.memref_slice %arg2[%multiple_of3A_38, %dma_start3A_43] : memref<320000x128xf32, #tpu.memory_space<hbm>> -> memref<128x128xf32, #tpu.memory_space<hbm>>
    tpu.enqueue_dma source(%dma_start3A_44 : memref<128x128xf32, #tpu.memory_space<hbm>>) target(%arg7 : memref<128x128xf32, #tpu.memory_space<vmem>>) target_semaphore(%arg11 : memref<!tpu.dma_semaphore, #tpu.memory_space<semaphore_mem>>)
    %dma_wait3A_45 = arith.constant 0 : i32
    %dma_wait3A_46 = tpu.memref_slice %arg3[%dma_wait3A_45] : memref<320000xi32, #tpu.memory_space<hbm>> -> memref<128xi32, #tpu.memory_space<hbm>>
    %dma_wait3A_47 = arith.constant 0 : i32
    %dma_wait3A_48 = tpu.memref_slice %arg3[%dma_wait3A_47] : memref<320000xi32, #tpu.memory_space<hbm>> -> memref<128xi32, #tpu.memory_space<hbm>>
    tpu.wait_dma2 semaphore(%arg14 : memref<!tpu.dma_semaphore, #tpu.memory_space<semaphore_mem>>) src(%dma_wait3A_48 : memref<128xi32, #tpu.memory_space<hbm>>) dst(%arg6 : memref<128xi32, #tpu.memory_space<vmem>>)
    %dma_wait3A_49 = arith.constant 0 : i32
    %dma_wait3A_50 = arith.constant 0 : i32
    %dma_wait3A_51 = tpu.memref_slice %arg2[%dma_wait3A_49, %dma_wait3A_50] : memref<320000x128xf32, #tpu.memory_space<hbm>> -> memref<128x128xf32, #tpu.memory_space<hbm>>
    %dma_wait3A_52 = arith.constant 0 : i32
    %dma_wait3A_53 = arith.constant 0 : i32
    %dma_wait3A_54 = tpu.memref_slice %arg2[%dma_wait3A_52, %dma_wait3A_53] : memref<320000x128xf32, #tpu.memory_space<hbm>> -> memref<128x128xf32, #tpu.memory_space<hbm>>
    tpu.wait_dma2 semaphore(%arg12 : memref<!tpu.dma_semaphore, #tpu.memory_space<semaphore_mem>>) src(%dma_wait3A_54 : memref<128x128xf32, #tpu.memory_space<hbm>>) dst(%arg8 : memref<128x128xf32, #tpu.memory_space<vmem>>)
    "tpu.region"() ({
      %run_scoped3A = tpu.sem_alloc : memref<!tpu.dma_semaphore, #tpu.memory_space<semaphore_mem>>
      %dma_start3A_71 = arith.constant 0 : i32
      %dma_start3A_72 = arith.constant 0 : i32
      %dma_start3A_73 = tpu.memref_slice %arg10[%dma_start3A_71, %dma_start3A_72] : memref<64x128xf32, #tpu.memory_space<vmem_shared>> -> memref<64x128xf32, #tpu.memory_space<vmem_shared>>
      tpu.enqueue_indirect_dma source(%arg8 : memref<128x128xf32, #tpu.memory_space<vmem>>) target(%dma_start3A_73 : memref<64x128xf32, #tpu.memory_space<vmem_shared>>) offsets(%arg6 : memref<128xi32, #tpu.memory_space<vmem>>) semaphore(%run_scoped3A : memref<!tpu.dma_semaphore, #tpu.memory_space<semaphore_mem>>) {add = true}
      %dma_wait3A_74 = arith.constant 0 : i32
      %dma_wait3A_75 = arith.constant 0 : i32
      %dma_wait3A_76 = tpu.memref_slice %arg10[%dma_wait3A_74, %dma_wait3A_75] : memref<64x128xf32, #tpu.memory_space<vmem_shared>> -> memref<64x128xf32, #tpu.memory_space<vmem_shared>>
      tpu.wait_indirect_dma semaphore(%run_scoped3A : memref<!tpu.dma_semaphore, #tpu.memory_space<semaphore_mem>>) src(%arg8 : memref<128x128xf32, #tpu.memory_space<vmem>>) dst(%dma_wait3A_76 : memref<64x128xf32, #tpu.memory_space<vmem_shared>>)
      tpu.yield
    }) : () -> ()
    %dma_wait3A_55 = arith.constant 0 : i32
    %dma_wait3A_56 = tpu.memref_slice %arg3[%dma_wait3A_55] : memref<320000xi32, #tpu.memory_space<hbm>> -> memref<128xi32, #tpu.memory_space<hbm>>
    %dma_wait3A_57 = arith.constant 0 : i32
    %dma_wait3A_58 = tpu.memref_slice %arg3[%dma_wait3A_57] : memref<320000xi32, #tpu.memory_space<hbm>> -> memref<128xi32, #tpu.memory_space<hbm>>
    tpu.wait_dma2 semaphore(%arg13 : memref<!tpu.dma_semaphore, #tpu.memory_space<semaphore_mem>>) src(%dma_wait3A_58 : memref<128xi32, #tpu.memory_space<hbm>>) dst(%arg5 : memref<128xi32, #tpu.memory_space<vmem>>)
    %dma_wait3A_59 = arith.constant 0 : i32
    %dma_wait3A_60 = arith.constant 0 : i32
    %dma_wait3A_61 = tpu.memref_slice %arg2[%dma_wait3A_59, %dma_wait3A_60] : memref<320000x128xf32, #tpu.memory_space<hbm>> -> memref<128x128xf32, #tpu.memory_space<hbm>>
    %dma_wait3A_62 = arith.constant 0 : i32
    %dma_wait3A_63 = arith.constant 0 : i32
    %dma_wait3A_64 = tpu.memref_slice %arg2[%dma_wait3A_62, %dma_wait3A_63] : memref<320000x128xf32, #tpu.memory_space<hbm>> -> memref<128x128xf32, #tpu.memory_space<hbm>>
    tpu.wait_dma2 semaphore(%arg11 : memref<!tpu.dma_semaphore, #tpu.memory_space<semaphore_mem>>) src(%dma_wait3A_64 : memref<128x128xf32, #tpu.memory_space<hbm>>) dst(%arg7 : memref<128x128xf32, #tpu.memory_space<vmem>>)
    "tpu.region"() ({
      %run_scoped3A = tpu.sem_alloc : memref<!tpu.dma_semaphore, #tpu.memory_space<semaphore_mem>>
      %dma_start3A_71 = arith.constant 0 : i32
      %dma_start3A_72 = arith.constant 0 : i32
      %dma_start3A_73 = tpu.memref_slice %arg10[%dma_start3A_71, %dma_start3A_72] : memref<64x128xf32, #tpu.memory_space<vmem_shared>> -> memref<64x128xf32, #tpu.memory_space<vmem_shared>>
      tpu.enqueue_indirect_dma source(%arg7 : memref<128x128xf32, #tpu.memory_space<vmem>>) target(%dma_start3A_73 : memref<64x128xf32, #tpu.memory_space<vmem_shared>>) offsets(%arg5 : memref<128xi32, #tpu.memory_space<vmem>>) semaphore(%run_scoped3A : memref<!tpu.dma_semaphore, #tpu.memory_space<semaphore_mem>>) {add = true}
      %dma_wait3A_74 = arith.constant 0 : i32
      %dma_wait3A_75 = arith.constant 0 : i32
      %dma_wait3A_76 = tpu.memref_slice %arg10[%dma_wait3A_74, %dma_wait3A_75] : memref<64x128xf32, #tpu.memory_space<vmem_shared>> -> memref<64x128xf32, #tpu.memory_space<vmem_shared>>
      tpu.wait_indirect_dma semaphore(%run_scoped3A : memref<!tpu.dma_semaphore, #tpu.memory_space<semaphore_mem>>) src(%arg7 : memref<128x128xf32, #tpu.memory_space<vmem>>) dst(%dma_wait3A_76 : memref<64x128xf32, #tpu.memory_space<vmem_shared>>)
      tpu.yield
    }) : () -> ()
    %barrier3A_65 = arith.constant 0 : index
    tpu.barrier barrier_id(%barrier3A_65)
    %eq3A_66 = arith.constant 0 : i32
    %eq3A_67 = arith.cmpi eq, %arg1, %eq3A_66 : i32
    %convert_element_type3A_68 = arith.extui %eq3A_67 : i1 to i32
    %cond3A_69 = arith.constant 0 : i32
    %cond3A_70 = arith.cmpi ne, %convert_element_type3A_68, %cond3A_69 : i32
    scf.if %cond3A_70 {
      "tpu.region"() ({
        %run_scoped3A = tpu.sem_alloc : memref<!tpu.dma_semaphore, #tpu.memory_space<semaphore_mem>>
        %dma_start3A_71 = arith.constant 0 : i32
        %dma_start3A_72 = arith.constant 0 : i32
        %dma_start3A_73 = tpu.memref_slice %arg4[%arg0, %dma_start3A_71, %dma_start3A_72] : memref<2x64x128xf32, #tpu.memory_space<hbm>> -> memref<1x64x128xf32, #tpu.memory_space<hbm>>
        %dma_start3A_74 = tpu.memref_squeeze %dma_start3A_73 : memref<1x64x128xf32, #tpu.memory_space<hbm>> -> memref<64x128xf32, #tpu.memory_space<hbm>>
        tpu.enqueue_dma source(%arg10 : memref<64x128xf32, #tpu.memory_space<vmem_shared>>) target(%dma_start3A_74 : memref<64x128xf32, #tpu.memory_space<hbm>>) target_semaphore(%run_scoped3A : memref<!tpu.dma_semaphore, #tpu.memory_space<semaphore_mem>>)
        %dma_wait3A_75 = arith.constant 0 : i32
        %dma_wait3A_76 = arith.constant 0 : i32
        %dma_wait3A_77 = tpu.memref_slice %arg4[%arg0, %dma_wait3A_75, %dma_wait3A_76] : memref<2x64x128xf32, #tpu.memory_space<hbm>> -> memref<1x64x128xf32, #tpu.memory_space<hbm>>
        %dma_wait3A_78 = tpu.memref_squeeze %dma_wait3A_77 : memref<1x64x128xf32, #tpu.memory_space<hbm>> -> memref<64x128xf32, #tpu.memory_space<hbm>>
        tpu.wait_dma2 semaphore(%run_scoped3A : memref<!tpu.dma_semaphore, #tpu.memory_space<semaphore_mem>>) src(%arg10 : memref<64x128xf32, #tpu.memory_space<vmem_shared>>) dst(%dma_wait3A_78 : memref<64x128xf32, #tpu.memory_space<hbm>>)
        tpu.yield
      }) : () -> ()
    } else {
    }
    return
  }
}

module attributes {stable_mosaic.version = 14 : i64} {
  func.func @_seg_kernel(%arg0: i32, %arg1: memref<320000xi32, #tpu.memory_space<vmem>>, %arg2: memref<2560x128xf32, #tpu.memory_space<vmem>>, %arg3: memref<64x128xf32, #tpu.memory_space<vmem>>, %arg4: memref<64x128xf32, #tpu.memory_space<vmem>>) attributes {dimension_semantics = [#tpu.dimension_semantics<arbitrary>], iteration_bounds = array<i64: 125>, scalar_prefetch = 0 : i64, scratch_operands = 0 : i64, tpu.core_type = #tpu.core_type<tc>, window_params = [{pipeline_mode = #tpu.pipeline_mode<synchronous>, transform_indices = @transform_0, window_bounds = array<i64: 320000>}, {transform_indices = @transform_1, window_bounds = array<i64: 2560, 128>}, {pipeline_mode = #tpu.pipeline_mode<synchronous>, transform_indices = @transform_2, window_bounds = array<i64: 64, 128>}, {pipeline_mode = #tpu.pipeline_mode<synchronous>, transform_indices = @transform_3, window_bounds = array<i64: 64, 128>}]} {
    %eq3A = arith.constant 0 : i32
    %eq3A_0 = arith.cmpi eq, %arg0, %eq3A : i32
    %convert_element_type3A = arith.extui %eq3A_0 : i1 to i32
    %cond3A = arith.constant 0 : i32
    %cond3A_1 = arith.cmpi ne, %convert_element_type3A, %cond3A : i32
    scf.if %cond3A_1 {
      %broadcast_in_dim3A_20 = arith.constant 0.000000e+00 : f32
      %broadcast_in_dim3A_21 = vector.broadcast %broadcast_in_dim3A_20 : f32 to vector<64x128xf32>
      %swap3A_22 = arith.constant 0 : index
      %swap3A_23 = arith.constant 0 : index
      %swap3A_24 = vector.load %arg3[%swap3A_22, %swap3A_23] : memref<64x128xf32, #tpu.memory_space<vmem>>, vector<64x128xf32>
      tpu.vector_store %arg3[%swap3A_22, %swap3A_23], %broadcast_in_dim3A_21 {strides = array<i32>} : memref<64x128xf32, #tpu.memory_space<vmem>>, vector<64x128xf32>,
      %broadcast_in_dim3A_25 = arith.constant 0.000000e+00 : f32
      %broadcast_in_dim3A_26 = vector.broadcast %broadcast_in_dim3A_25 : f32 to vector<64x128xf32>
      %swap3A_27 = arith.constant 0 : index
      %swap3A_28 = arith.constant 0 : index
      %swap3A_29 = vector.load %arg4[%swap3A_27, %swap3A_28] : memref<64x128xf32, #tpu.memory_space<vmem>>, vector<64x128xf32>
      tpu.vector_store %arg4[%swap3A_27, %swap3A_28], %broadcast_in_dim3A_26 {strides = array<i32>} : memref<64x128xf32, #tpu.memory_space<vmem>>, vector<64x128xf32>,
    } else {
    }
    %mul3A = arith.constant 2560 : i32
    %mul3A_2 = arith.muli %arg0, %mul3A : i32
    %get3A = arith.index_cast %mul3A_2 : i32 to index
    %get3A_3 = vector.load %arg1[%get3A] : memref<320000xi32, #tpu.memory_space<vmem>>, vector<2560xi32>
    %reshape3A = vector.shape_cast %get3A_3 : vector<2560xi32> to vector<1x2560xi32>
    %iota3A = tpu.iota {dimensions = array<i32: 0>} : vector<64x2560xi32>
    %eq3A_4 = vector.broadcast %reshape3A : vector<1x2560xi32> to vector<64x2560xi32>
    %eq3A_5 = arith.cmpi eq, %iota3A, %eq3A_4 : vector<64x2560xi32>
    %convert_element_type3A_6 = arith.extui %eq3A_5 : vector<64x2560xi1> to vector<64x2560xi32>
    %convert_element_type3A_7 = arith.sitofp %convert_element_type3A_6 : vector<64x2560xi32> to vector<64x2560xf32>
    %convert_element_type3A_8 = arith.truncf %convert_element_type3A_7 : vector<64x2560xf32> to vector<64x2560xbf16>
    %broadcast_in_dim3A = arith.constant 1.000000e+00 : bf16
    %broadcast_in_dim3A_9 = vector.broadcast %broadcast_in_dim3A : bf16 to vector<2560x128xbf16>
    %get3A_10 = arith.constant 0 : index
    %get3A_11 = arith.constant 0 : index
    %get3A_12 = vector.load %arg4[%get3A_10, %get3A_11] : memref<64x128xf32, #tpu.memory_space<vmem>>, vector<64x128xf32>
    %dot_general3A = arith.constant dense<0.000000e+00> : vector<64x128xf32>
    %dot_general3A_13 = tpu.matmul %convert_element_type3A_8, %broadcast_in_dim3A_9, %dot_general3A {dimension_numbers = #tpu.dot_dimension_numbers<[1], [0], [0], [1], [0, 0, 1, 1], [], []>, transpose_lhs_hint = false} : vector<64x2560xbf16>, vector<2560x128xbf16>, vector<64x128xf32> -> vector<64x128xf32>
    %add3A = arith.addf %get3A_12, %dot_general3A_13 : vector<64x128xf32>
    %swap3A = arith.constant 0 : index
    %swap3A_14 = arith.constant 0 : index
    %swap3A_15 = vector.load %arg4[%swap3A, %swap3A_14] : memref<64x128xf32, #tpu.memory_space<vmem>>, vector<64x128xf32>
    tpu.vector_store %arg4[%swap3A, %swap3A_14], %add3A {strides = array<i32>} : memref<64x128xf32, #tpu.memory_space<vmem>>, vector<64x128xf32>,
    %ge3A = arith.constant 88 : i32
    %ge3A_16 = arith.cmpi sge, %arg0, %ge3A : i32
    %convert_element_type3A_17 = arith.extui %ge3A_16 : i1 to i32
    %cond3A_18 = arith.constant 0 : i32
    %cond3A_19 = arith.cmpi ne, %convert_element_type3A_17, %cond3A_18 : i32
    scf.if %cond3A_19 {
      %get3A_20 = arith.constant 0 : index
      %get3A_21 = arith.constant 0 : index
      %get3A_22 = vector.load %arg2[%get3A_20, %get3A_21] : memref<2560x128xf32, #tpu.memory_space<vmem>>, vector<2560x128xf32>
      %get3A_23 = arith.constant 0 : index
      %get3A_24 = arith.constant 0 : index
      %get3A_25 = vector.load %arg3[%get3A_23, %get3A_24] : memref<64x128xf32, #tpu.memory_space<vmem>>, vector<64x128xf32>
      %dot_general3A_26 = arith.constant dense<0.000000e+00> : vector<64x128xf32>
      %dot_general3A_27 = tpu.matmul %convert_element_type3A_8, %get3A_22, %dot_general3A_26 {dimension_numbers = #tpu.dot_dimension_numbers<[1], [0], [0], [1], [0, 0, 1, 1], [], []>, transpose_lhs_hint = false} : vector<64x2560xbf16>, vector<2560x128xf32>, vector<64x128xf32> -> vector<64x128xf32>
      %add3A_28 = arith.addf %get3A_25, %dot_general3A_27 : vector<64x128xf32>
      %swap3A_29 = arith.constant 0 : index
      %swap3A_30 = arith.constant 0 : index
      %swap3A_31 = vector.load %arg3[%swap3A_29, %swap3A_30] : memref<64x128xf32, #tpu.memory_space<vmem>>, vector<64x128xf32>
      tpu.vector_store %arg3[%swap3A_29, %swap3A_30], %add3A_28 {strides = array<i32>} : memref<64x128xf32, #tpu.memory_space<vmem>>, vector<64x128xf32>,
    } else {
    }
    return
  }
  func.func @transform_0(%arg0: i32) -> i32 {
    %c0_i32 = arith.constant 0 : i32
    %c0_i32_0 = arith.constant 0 : i32
    return %c0_i32 : i32
  }
  func.func @transform_1(%arg0: i32) -> (i32, i32) {
    %max3A = arith.constant 88 : i32
    %max3A_0 = arith.maxsi %arg0, %max3A : i32
    %c0_i32 = arith.constant 0 : i32
    %c0_i32_1 = arith.constant 0 : i32
    return %max3A_0, %c0_i32 : i32, i32
  }
  func.func @transform_2(%arg0: i32) -> (i32, i32) {
    %c0_i32 = arith.constant 0 : i32
    %c0_i32_0 = arith.constant 0 : i32
    %c0_i32_1 = arith.constant 0 : i32
    return %c0_i32, %c0_i32_0 : i32, i32
  }
  func.func @transform_3(%arg0: i32) -> (i32, i32) {
    %c0_i32 = arith.constant 0 : i32
    %c0_i32_0 = arith.constant 0 : i32
    %c0_i32_1 = arith.constant 0 : i32
    return %c0_i32, %c0_i32_0 : i32, i32
  }
}

module attributes {stable_mosaic.version = 14 : i64} {
  func.func @_logit_kernel(%arg0: i32, %arg1: memref<64x128xf32, #tpu.memory_space<vmem>>, %arg2: memref<64x128xf32, #tpu.memory_space<vmem>>, %arg3: memref<2x64x128xf32, #tpu.memory_space<vmem>>, %arg4: memref<4096x128xf32, #tpu.memory_space<vmem>>, %arg5: memref<64x4096xf32, #tpu.memory_space<vmem>>, %arg6: memref<64x128xf32, #tpu.memory_space<vmem>>) attributes {dimension_semantics = [#tpu.dimension_semantics<arbitrary>], iteration_bounds = array<i64: 8>, scalar_prefetch = 0 : i64, scratch_operands = 0 : i64, tpu.core_type = #tpu.core_type<tc>, window_params = [{pipeline_mode = #tpu.pipeline_mode<synchronous>, transform_indices = @transform_0, window_bounds = array<i64: 64, 128>}, {pipeline_mode = #tpu.pipeline_mode<synchronous>, transform_indices = @transform_1, window_bounds = array<i64: 64, 128>}, {pipeline_mode = #tpu.pipeline_mode<synchronous>, transform_indices = @transform_2, window_bounds = array<i64: 2, 64, 128>}, {transform_indices = @transform_3, window_bounds = array<i64: 4096, 128>}, {transform_indices = @transform_4, window_bounds = array<i64: 64, 4096>}, {pipeline_mode = #tpu.pipeline_mode<synchronous>, transform_indices = @transform_5, window_bounds = array<i64: 64, 128>}]} {
    %get3A = arith.constant 0 : index
    %get3A_0 = arith.constant 0 : index
    %get3A_1 = vector.load %arg1[%get3A, %get3A_0] : memref<64x128xf32, #tpu.memory_space<vmem>>, vector<64x128xf32>
    %get3A_2 = arith.constant 0 : index
    %get3A_3 = arith.constant 0 : index
    %get3A_4 = arith.constant 0 : index
    %get3A_5 = vector.load %arg3[%get3A_2, %get3A_3, %get3A_4] : memref<2x64x128xf32, #tpu.memory_space<vmem>>, vector<1x64x128xf32>
    %get3A_6 = vector.shape_cast %get3A_5 : vector<1x64x128xf32> to vector<64x128xf32>
    %add3A = arith.addf %get3A_1, %get3A_6 : vector<64x128xf32>
    %get3A_7 = arith.constant 1 : index
    %get3A_8 = arith.constant 0 : index
    %get3A_9 = arith.constant 0 : index
    %get3A_10 = vector.load %arg3[%get3A_7, %get3A_8, %get3A_9] : memref<2x64x128xf32, #tpu.memory_space<vmem>>, vector<1x64x128xf32>
    %get3A_11 = vector.shape_cast %get3A_10 : vector<1x64x128xf32> to vector<64x128xf32>
    %add3A_12 = arith.addf %add3A, %get3A_11 : vector<64x128xf32>
    %get3A_13 = arith.constant 0 : index
    %get3A_14 = arith.constant 0 : index
    %get3A_15 = vector.load %arg2[%get3A_13, %get3A_14] : memref<64x128xf32, #tpu.memory_space<vmem>>, vector<64x1xf32>
    %max3A = arith.constant 1.000000e+00 : f32
    %max3A_16 = vector.broadcast %max3A : f32 to vector<64x1xf32>
    %max3A_17 = arith.maximumf %get3A_15, %max3A_16 : vector<64x1xf32>
    %div3A = vector.broadcast %max3A_17 : vector<64x1xf32> to vector<64x128xf32>
    %div3A_18 = arith.divf %add3A_12, %div3A : vector<64x128xf32>
    %swap3A = arith.constant 0 : index
    %swap3A_19 = arith.constant 0 : index
    %swap3A_20 = vector.load %arg6[%swap3A, %swap3A_19] : memref<64x128xf32, #tpu.memory_space<vmem>>, vector<64x128xf32>
    tpu.vector_store %arg6[%swap3A, %swap3A_19], %div3A_18 {strides = array<i32>} : memref<64x128xf32, #tpu.memory_space<vmem>>, vector<64x128xf32>,
    %mul3A = arith.mulf %div3A_18, %div3A_18 : vector<64x128xf32>
    %reduce_sum3A = arith.constant dense<0.000000e+00> : vector<64xf32>
    %reduce_sum3A_21 = vector.multi_reduction <add>, %mul3A, %reduce_sum3A [1] : vector<64x128xf32> to vector<64xf32>
    %broadcast_in_dim3A = vector.shape_cast %reduce_sum3A_21 : vector<64xf32> to vector<64x1xf32>
    %sqrt3A = math.sqrt %broadcast_in_dim3A : vector<64x1xf32>
    %max3A_22 = arith.constant 1.000000e-30 : f32
    %max3A_23 = vector.broadcast %max3A_22 : f32 to vector<64x1xf32>
    %max3A_24 = arith.maximumf %sqrt3A, %max3A_23 : vector<64x1xf32>
    %div3A_25 = arith.constant 5.000000e+01 : f32
    %div3A_26 = vector.broadcast %div3A_25 : f32 to vector<64x1xf32>
    %div3A_27 = arith.divf %div3A_26, %max3A_24 : vector<64x1xf32>
    %mul3A_28 = vector.broadcast %div3A_27 : vector<64x1xf32> to vector<64x128xf32>
    %mul3A_29 = arith.mulf %div3A_18, %mul3A_28 : vector<64x128xf32>
    %get3A_30 = arith.constant 0 : index
    %get3A_31 = arith.constant 0 : index
    %get3A_32 = vector.load %arg4[%get3A_30, %get3A_31] : memref<4096x128xf32, #tpu.memory_space<vmem>>, vector<4096x128xf32>
    %broadcast_in_dim3A_33 = arith.constant 1.000000e+00 : f32
    %broadcast_in_dim3A_34 = vector.broadcast %broadcast_in_dim3A_33 : f32 to vector<64x128xf32>
    %mul3A_35 = arith.mulf %get3A_32, %get3A_32 : vector<4096x128xf32>
    %dot_general3A = arith.constant dense<0.000000e+00> : vector<64x4096xf32>
    %dot_general3A_36 = tpu.matmul %broadcast_in_dim3A_34, %mul3A_35, %dot_general3A {dimension_numbers = #tpu.dot_dimension_numbers<[1], [1], [0], [0], [0, 0, 1, 0], [], []>, transpose_lhs_hint = false} : vector<64x128xf32>, vector<4096x128xf32>, vector<64x4096xf32> -> vector<64x4096xf32>
    %max3A_37 = arith.constant 9.99999991E-38 : f32
    %max3A_38 = vector.broadcast %max3A_37 : f32 to vector<64x4096xf32>
    %max3A_39 = arith.maximumf %dot_general3A_36, %max3A_38 : vector<64x4096xf32>
    %rsqrt3A = math.rsqrt %max3A_39 : vector<64x4096xf32>
    %dot_general3A_40 = arith.constant dense<0.000000e+00> : vector<64x4096xf32>
    %dot_general3A_41 = tpu.matmul %mul3A_29, %get3A_32, %dot_general3A_40 {dimension_numbers = #tpu.dot_dimension_numbers<[1], [1], [0], [0], [0, 0, 1, 0], [], []>, transpose_lhs_hint = false} : vector<64x128xf32>, vector<4096x128xf32>, vector<64x4096xf32> -> vector<64x4096xf32>
    %mul3A_42 = arith.mulf %dot_general3A_41, %rsqrt3A : vector<64x4096xf32>
    %swap3A_43 = arith.constant 0 : index
    %swap3A_44 = arith.constant 0 : index
    %swap3A_45 = vector.load %arg5[%swap3A_43, %swap3A_44] : memref<64x4096xf32, #tpu.memory_space<vmem>>, vector<64x4096xf32>
    tpu.vector_store %arg5[%swap3A_43, %swap3A_44], %mul3A_42 {strides = array<i32>} : memref<64x4096xf32, #tpu.memory_space<vmem>>, vector<64x4096xf32>,
    return
  }
  func.func @transform_0(%arg0: i32) -> (i32, i32) {
    %c0_i32 = arith.constant 0 : i32
    %c0_i32_0 = arith.constant 0 : i32
    %c0_i32_1 = arith.constant 0 : i32
    return %c0_i32, %c0_i32_0 : i32, i32
  }
  func.func @transform_1(%arg0: i32) -> (i32, i32) {
    %c0_i32 = arith.constant 0 : i32
    %c0_i32_0 = arith.constant 0 : i32
    %c0_i32_1 = arith.constant 0 : i32
    return %c0_i32, %c0_i32_0 : i32, i32
  }
  func.func @transform_2(%arg0: i32) -> (i32, i32, i32) {
    %c0_i32 = arith.constant 0 : i32
    %c0_i32_0 = arith.constant 0 : i32
    %c0_i32_1 = arith.constant 0 : i32
    %c0_i32_2 = arith.constant 0 : i32
    return %c0_i32, %c0_i32_0, %c0_i32_1 : i32, i32, i32
  }
  func.func @transform_3(%arg0: i32) -> (i32, i32) {
    %c0_i32 = arith.constant 0 : i32
    %c0_i32_0 = arith.constant 0 : i32
    return %arg0, %c0_i32 : i32, i32
  }
  func.func @transform_4(%arg0: i32) -> (i32, i32) {
    %c0_i32 = arith.constant 0 : i32
    %c0_i32_0 = arith.constant 0 : i32
    return %c0_i32, %arg0 : i32, i32
  }
  func.func @transform_5(%arg0: i32) -> (i32, i32) {
    %c0_i32 = arith.constant 0 : i32
    %c0_i32_0 = arith.constant 0 : i32
    %c0_i32_1 = arith.constant 0 : i32
    return %c0_i32, %c0_i32_0 : i32, i32
  }
}

</mosaic_0001>

<sc_bundles>
// kernel: kernel.5.cloned.1.call-start
scs
__scs_entry_jumppad:
0x0: {  	(pc) =	sbr.rel $0x88, $3  }
0x1: {  	(tag) =	ssettag $0x0;
	lr =	simm.s32 $0x1  }
0x2: {  	[smem:$0x3F9E] =	sst lr;
	_ =	strace $0xD0000000  }
0x3: {  	_ = 	snop  }
0x4: {  	_ = 	snop  }
0x5: {  	_ = 	snop  }
0x6: {  	_ = 	snop  }
0x7: {  	_ = 	snop  }
__scs_overlays_trampoline_lowered:
0x8: {  	[smem:$0x3FAD] =	sst s0  }
0x9: {  	[smem:$0x3FAE] =	sst s1  }
0xa: {  	[smem:$0x3FAF] =	sst s2  }
0xb: {  	[smem:$0x3FB0] =	sst s3  }
0xc: {  	[smem:$0x3FB1] =	sst s4  }
0xd: {  	[smem:$0x3FB2] =	sst s5  }
0xe: {  	[smem:$0x3FB3] =	sst s6  }
0xf: {  	[smem:$0x3FB4] =	sst s7  }
0x10: {  	[smem:$0x3FB5] =	sst s8  }
0x11: {  	[smem:$0x3FB6] =	sst s9;
	s0 =	simm.s32 @!p0 $0x0  }
0x12: {  	s1 =	sld [smem:$0x3F9C];
	s0 =	simm.s32 @p0 $0x1  }
0x13: {  	[smem:$0x3FB7] =	sst s0;
	s0 =	simm.s32 @!p1 $0x0  }
0x14: {  	s2 =	sld [smem:$0x3F9B];
	s0 =	simm.s32 @p1 $0x1  }
0x15: {  	[smem:$0x3FB8] =	sst s0;
	s0 =	simm.s32 @!p2 $0x0  }
0x16: {  	s3 =	sld [smem:$0x3FDB];
	s0 =	simm.s32 @p2 $0x1  }
0x17: {  	s4 =	simm.s32 $0x1BF5;
	[smem:$0x3FBA] =	sst s0  }
0x18: {  	s0 =	sld [smem:$0x3F9D];
	_ =	swait.ge [sflag:s4], $0x0  }
0x19: {  	s7 =	sld [smem:$0x3F9E]  }
0x1a: {  	s8 =	sadd.s32 $0xFFFFE003, lr  }
0x1b: {  	s9 =	sadd.s32 $0xFFFFFEF7, lr;
	s5 =	simm.s32 $0xFFFFFFFF;
	p2 =	slt.u32 s8, $0xFFFFF086  }
0x1c: {  	p1 =	slt.u32 s9, $0xF7A;
	s5 =	simm.s32 @!p2 $0x0  }
0x1d: {  	s5 =	simm.s32 @p1 $0x1;
	p0 =	seq.s32 s7, s2  }
0x1e: {  	s7 =	smul.u32 @!p0 $0xF7A, s2;
	p2 =	seq.s32 @!p0 s5, $0x0  }
0x1f: {  	s9 =	smul.u32 $0xF7A, s1;
	s8 =	simm.s32 @!p0 $0x1BF5;
	p2 =	por !p2, p0  }
0x20: {  	[sflag:s8] =	ssyncset.s32 @!p0 $0xFFFFF086;
	s6 =	sadd.s32 @!p0 s3, s7;
	s7 =	simm.s32 @!p0 $0x108  }
0x21: {  	s3 =	sadd.s32 s3, s9;
	s6 =	sadd.s32 @!p0 $0x88, s6;
	s7 =	simm.s32 @p2 $0x1082  }
0x22: {  	[simem:s7], [sflag:s8] =	dma.local @!p0 [hbm:s6], $0xF7A  }
0x23: {  	s9 =	sor.u32 $0xD0000000, s2;
	s6 =	simm.s32 $0x108;
	_ =	swait.ge @!p0 [sflag:s8], $0x0  }
0x24: {  	s3 =	sadd.s32 $0x88, s3;
	s6 =	simm.s32 @!p1 $0x1082;
	[sflag:s4] =	ssyncset.s32 $0xFFFFF086  }
0x25: {  	[simem:s6], [sflag:s4] =	dma.local [hbm:s3], $0xF7A  }
0x26: {  	[smem:$0x3F9E] =	sst s1;
	(tag) =	ssettag s2;
	_ =	strace s9  }
0x27: {  	s1 =	sld [smem:$0x3FAE]  }
0x28: {  	s2 =	sld [smem:$0x3FAF]  }
0x29: {  	s4 =	sld [smem:$0x3FB1]  }
0x2a: {  	p0 =	seq.s32 s5, $0x0;
	s5 =	sld [smem:$0x3FB2]  }
0x2b: {  	s6 =	sld [smem:$0x3FB3]  }
0x2c: {  	s7 =	sld [smem:$0x3FB4]  }
0x2d: {  	s3 =	simm.s32 $0x108;
	s8 =	sld [smem:$0x3FB5]  }
0x2e: {  	s3 =	simm.s32 @!p0 $0x1082;
	s9 =	sld [smem:$0x3FB6]  }
0x2f: {  	lr =	sadd.s32 s0, s3;
	s0 =	sld [smem:$0x3FAD]  }
0x30: {  	s3 =	sld [smem:$0x3FB0]  }
0x31: {  	[smem:$0x3FB9] =	sst s10  }
0x32: {  	s10 =	sld [smem:$0x3FB7];
	_ =	sdelay $0x3  }
0x33: {  	p0 =	seq.s32 s10, $0x1;
	s10 =	sld [smem:$0x3FB9];
	_ =	sdelay $0x3  }
0x34: {  	[smem:$0x3FB9] =	sst s10  }
0x35: {  	s10 =	sld [smem:$0x3FB8];
	_ =	sdelay $0x3  }
0x36: {  	p1 =	seq.s32 s10, $0x1;
	s10 =	sld [smem:$0x3FB9];
	_ =	sdelay $0x3  }
0x37: {  	[smem:$0x3FB9] =	sst s10  }
0x38: {  	s10 =	sld [smem:$0x3FBA]  }
0x39: {  	_ = 	snop;
	(pc) =	sbr.ind lr, $3  }
0x3a: {  	_ = 	snop  }
0x3b: {  	_ = 	snop  }
0x3c: {  	p2 =	seq.s32 s10, $0x1;
	s10 =	sld [smem:$0x3FB9]  }
0x3d: {  	_ =	shalt  }
0x3e: {  	_ =	shalt  }
0x3f: {  	_ =	shalt  }
0x40: {  	_ =	shalt  }
0x41: {  	_ =	shalt  }
0x42: {  	_ =	shalt  }
0x43: {  	_ =	shalt  }
0x44: {  	_ =	shalt  }
0x45: {  	_ =	shalt  }
0x46: {  	_ =	shalt  }
0x47: {  	_ =	shalt  }
0x48: {  	_ =	shalt  }
0x49: {  	_ =	shalt  }
0x4a: {  	_ =	shalt  }
0x4b: {  	_ =	shalt  }
0x4c: {  	_ =	shalt  }
0x4d: {  	_ =	shalt  }
0x4e: {  	_ =	shalt  }
0x4f: {  	_ =	shalt  }
0x50: {  	_ =	shalt  }
0x51: {  	_ =	shalt  }
0x52: {  	_ =	shalt  }
0x53: {  	_ =	shalt  }
0x54: {  	_ =	shalt  }
0x55: {  	_ =	shalt  }
0x56: {  	_ =	shalt  }
0x57: {  	_ =	shalt  }
0x58: {  	_ =	shalt  }
0x59: {  	_ =	shalt  }
0x5a: {  	_ =	shalt  }
0x5b: {  	_ =	shalt  }
0x5c: {  	_ =	shalt  }
0x5d: {  	_ =	shalt  }
0x5e: {  	_ =	shalt  }
0x5f: {  	_ =	shalt  }
0x60: {  	_ =	shalt  }
0x61: {  	_ =	shalt  }
0x62: {  	_ =	shalt  }
0x63: {  	_ =	shalt  }
0x64: {  	_ =	shalt  }
0x65: {  	_ =	shalt  }
0x66: {  	_ =	shalt  }
0x67: {  	_ =	shalt  }
0x68: {  	_ =	shalt  }
0x69: {  	_ =	shalt  }
0x6a: {  	_ =	shalt  }
0x6b: {  	_ =	shalt  }
0x6c: {  	_ =	shalt  }
0x6d: {  	_ =	shalt  }
0x6e: {  	_ =	shalt  }
0x6f: {  	_ =	shalt  }
0x70: {  	_ =	shalt  }
0x71: {  	_ =	shalt  }
0x72: {  	_ =	shalt  }
0x73: {  	_ =	shalt  }
0x74: {  	_ =	shalt  }
0x75: {  	_ =	shalt  }
0x76: {  	_ =	shalt  }
0x77: {  	_ =	shalt  }
0x78: {  	_ =	shalt  }
0x79: {  	_ =	shalt  }
0x7a: {  	_ =	shalt  }
0x7b: {  	_ =	shalt  }
0x7c: {  	_ =	shalt  }
0x7d: {  	_ =	shalt  }
0x7e: {  	_ =	shalt  }
0x7f: {  	_ =	shalt  }
0x80: {  	_ =	shalt  }
0x81: {  	_ =	shalt  }
0x82: {  	_ =	shalt  }
0x83: {  	_ =	shalt  }
0x84: {  	_ =	shalt  }
0x85: {  	_ =	shalt  }
0x86: {  	_ =	shalt  }
0x87: {  	_ =	shalt  }
.Lfunc_end0:
.L_simem_size_0:
called_computation_lowered:
.L_overlay_start_0:
0x88: {  	s2 =	sld [smem:$0x3FD9]  }
0x89: {  	s3 =	sld [smem:$0x3FFE];
	_ =	sdelay $0x1  }
0x8a: {  	s1 =	srdreg.scid  }
0x8b: {  	s0 =	sand.u32 $0x1, s1  }
0x8c: {  	s15 =	sshll.u32 s0, $0xA;
	s2 =	sadd.s32 s3, s2  }
0x8d: {  	s2 =	sadd.s32 s2, s15  }
0x8e: {  	[smem:$0x3FC5] =	sst s2  }
0x8f: {  	_ = 	snop  }
0x90: {  	s2 =	sld [smem:$0x3FD0];
	_ =	sdelay $0x1  }
0x91: {  	s16 =	sld [smem:$0x3FC9]  }
0x92: {  	s5 =	simm.s32 $0xA;
	s6 =	simm.s32 $0x10;
	s4 =	sld [smem:$0x3FC8]  }
0x93: {  	[smem:s6], [sflag:s5] =	dma.local [hbm:s2], $0x1  }
0x94: {  	_ =	swait.eq [sflag:s5], $0x1  }
0x95: {  	[sflag:s5] =	ssyncset.done $0x0  }
0x96: {  	[sflag:s5] =	ssyncadd.s32 $0xFFFFFFFF  }
0x97: {  	s17 =	sld [smem:$0x10];
	(tm) =	ssettm $0x1  }
0x98: {  	s18 =	sld [smem:$0x3FFB];
	_ =	sdelay $0x3  }
0x99: {  	_ =	strace s18  }
0x9a: {  	s5 =	sld [smem:$0x3FFC];
	_ =	sdelay $0x3  }
0x9b: {  	_ =	strace s5  }
0x9c: {  	s5 =	sld [smem:$0x3FFD];
	_ =	sdelay $0x3  }
0x9d: {  	_ =	strace s5  }
0x9e: {  	_ =	strace $0x8FFFFFFF  }
0x9f: {  	s19 =	sld [smem:$0x3FDB];
	_ =	sdelay $0x1  }
0xa0: {  	s20 =	simm.s32 $_scs_section_size  }
0xa1: {  	s7 =	simm.s32 $_size__tile_overlayer_lowered;
	s8 =	simm.s32 $_tile_overlayer_lowered  }
0xa2: {  	s23 =	simm.s32 $0x1BFF;
	s22 =	sshll.u32 s8, $0x1;
	s5 =	sadd.s32 s20, s19  }
0xa3: {  	s9 =	simm.s32 $0x0;
	s21 =	sshll.u32 s7, $0x1;
	s7 =	sadd.s32 s22, s5  }
0xa4: {  	[timem:s9], [sflag:s23] =	dma.local [hbm:s7], s21  }
0xa5: {  	_ =	swait.ge [sflag:s23], s21  }
0xa6: {  	s6 =	ssub.s32 $0x0, s21;
	[sflag:s23] =	ssyncset.done $0x0  }
0xa7: {  	[sflag:s23] =	ssyncadd.s32 s6;
	_ =	sdelay $0x1  }
0xa8: {  	s24 =	simm.s32 $0x1B8B  }
0xa9: {  	_ =	swait.ge [sflag:s24], $0x1  }
0xaa: {  	[sflag:s24] =	ssyncset.done $0x0  }
0xab: {  	s25 =	simm.s32 $0x1B8E;
	[sflag:s24] =	ssyncadd.s32 $0xFFFFFFFF  }
0xac: {  	s26 =	simm.s32 $execute0_lowered;
	[smem:$0x3FD2] =	sst s25  }
0xad: {  	s6 =	sshll.u32 s26, $0x1;
	_ =	strace $0x80000046;
	[dreg:$0x1] =	wrdreg $0xFFFFFFFF  }
0xae: {  	s28 =	simm.s32 $_size_execute0_lowered;
	s5 =	sadd.s32 s5, s6;
	[dreg:$0x0] =	wrdreg $0x0  }
0xaf: {  	s6 =	sshll.u32 s28, $0x1;
	[dreg:$0x2] =	wrdreg s5  }
0xb0: {  	[dreg:$0x3] =	wrdreg s6  }
0xb1: {  	[dreg:$0x4] =	wrdreg $0xC0  }
0xb2: {  	_ =	task [dreg:s9], $0x5FFFF  }
0xb3: {  	[dreg:$0x1] =	wrdreg $0xFFFFFFFF  }
0xb4: {  	[dreg:$0x0] =	wrdreg $0x60  }
0xb5: {  	[dreg:$0x2] =	wrdreg s16  }
0xb6: {  	[dreg:$0x3] =	wrdreg s4  }
0xb7: {  	[dreg:$0x4] =	wrdreg s17  }
0xb8: {  	[dreg:$0x5] =	wrdreg $0xA1000  }
0xb9: {  	[dreg:$0x6] =	wrdreg $0x9  }
0xba: {  	_ =	task.clear_ibuf [dreg:s9], $0x7FFFF;
	_ =	strace $0x90000046  }
0xbb: {  	s29 =	simm.s32 $0x9;
	_ =	strace $0x80000048  }
0xbc: {  	_ =	swait.ge [sflag:s29], $0x1  }
0xbd: {  	[sflag:s29] =	ssyncadd.s32 $0xFFFFFFFF  }
0xbe: {  	_ =	strace $0x90000048  }
0xbf: {  	_ =	sfence  }
0xc0: {  	s30 =	sld [smem:$0x0];
	_ =	sdelay $0x2  }
0xc1: {  	s31 =	sshll.u32 s1, $0xD;
	s1 =	sshrl.u32 s1, $0x2  }
0xc2: {  	s3 =	sand.u32 $0x4000, s31;
	s1 =	sadd.s32 s1, s30  }
0xc3: {  	s0 =	sor.u32 s3, s0;
	s1 =	sshll.u32 s1, $0x11  }
0xc4: {  	s0 =	sor.u32 s1, s0  }
0xc5: {  	s0 =	sadd.s32 $0x8F2B, s0  }
0xc6: {  	[sflag:s0] =	ssyncadd.remote.s32 $0x1  }
0xc7: {  	_ =	sfence.sel $0xFFFF  }
0xc8: {  	[dreg:$0x0] =	wrdreg $0xFFFFFFFF;
	(pc) =	sbr.abs _section_cstart, $3  }
0xc9: {  	[dreg:$0x1] =	wrdreg $0xFFFFFFFF  }
0xca: {  	_ =	task.clear_ibuf [dreg:s9], $0x2FFFF;
	_ =	strace $0x9FFFFFFF  }
0xcb: {  	(tm) =	ssettm $0x7FFFFFFF  }
tec
execute0_lowered:
.L_overlay_start_1:
0x0: {  	(tag) =	ssettag $0x1  }
0x1: {  	s10 =	rddreg [dreg:$0x0]  }
0x2: {  	s0 =	rddreg [dreg:$0x1]  }
0x3: {  	s11 =	rddreg [dreg:$0x2];
	s1 =	srdreg.scid  }
0x4: {  	s15 =	stileid.u32;
	s2 =	rddreg [dreg:$0x3]  }
0x5: {  	s3 =	simm.s32 $0x0;
	s19 =	simm.s32 $0x4100;
	s20 =	simm.s32 $0x3  }
0x6: {  	s21 =	simm.s32 $0x1;
	s12 =	sand.u32 $0x1, s1;
	s14 =	smul.u32 $0x3700, s15  }
0x7: {  	s4 =	sshll.u32 s15, $0x1;
	s1 =	rddreg [dreg:$0x4];
	s17 =	smul.u32 $0x37000, s15  }
0x8: {  	[smem:$0x7FF] =	sst s3;
	p0 =	sne.s32 s15, $0x0;
	s16 =	smul.u32 $0x1B80, s12  }
0x9: {  	s15 =	simm.s32 $0x8100;
	s4 =	sor.u32 s12, s4;
	s18 =	smul.u32 $0x1B800, s12  }
0xa: {  	_ =	strace $0x80000047;
	s5 =	ssub.s32 $0x2, s12;
	s7 =	smul.u32 $0x1B80, s4  }
0xb: {  	s12 =	sshll.u32 s12, $0xA;
	s6 =	sshrl.u32 s5, $0x1;
	s8 =	smul.u32 $0x1B800, s4  }
0xc: {  	s28 =	sadd.s32 s17, s10;
	s17 =	simm.s32 $0x100;
	s13 =	ssub.s32 s5, s6  }
0xd: {  	s14 =	sadd.s32 s16, s14;
	s30 =	sadd.s32 s18, s28;
	s16 =	simm.s32 $0x5  }
0xe: {  	s18 =	simm.s32 $0x80;
	s9 =	sadd.s32 $0x80, s7;
	s22 =	sshrl.u32 s7, $0x3  }
0xf: {  	s5 =	sadd.s32 s10, s8;
	s25 =	sadd.s32 $0x1B00, s7;
	s29 =	sadd.s32 $0x180, s14  }
0x10: {  	s14 =	sadd.s32 $0x100, s14;
	s23 =	sshrl.u32 s9, $0x3;
	s4 =	sadd.s32 s0, s22  }
0x11: {  	s24 =	sshll.u32 s9, $0x4;
	s26 =	sshrl.u32 s25, $0x3;
	s9 =	sshll.u32 s25, $0x4  }
0x12: {  	s31 =	sshrl.u32 s29, $0x3;
	s22 =	simm.s32 $0x4;
	s6 =	sadd.s32 s0, s23  }
0x13: {  	s7 =	sadd.s32 s10, s24;
	s8 =	sadd.s32 s0, s26;
	s9 =	sadd.s32 s10, s9  }
0x14: {  	s10 =	sadd.s32 s11, s12;
	s11 =	smax.u32 s13, $0x1;
	s12 =	sadd.s32 $0x1800, s30  }
0x15: {  	v0 =	vimm.f32 $0.0e+00;
	s13 =	sadd.s32 s31, s0;
	s23 =	simm.s32 $0x2;
	s24 =	simm.s32 $0x0  }
.LBB2_1:
.Ltmp0:
0x16: {  	(pc) =	sbr.rel @p0 .LBB2_5-.Ltmp0, $1  }
0x17: {  	_ =	sdelay $0x3  }
0x18: {  	s25 =	sshra.s32 s3, $0x2;
	s26 =	sadd.s32 $0x200, s3  }
.LBB2_3:
0x19: {  	p1 =	sne.s32 s26, $0x7E00;
	[tilespmem:s25+$0x8170] =	vst v0  }
0x1a: {  	[tilespmem:s25+$0x8100] =	vst v0  }
0x1b: {  	[tilespmem:s25+$0x8110] =	vst v0  }
.Ltmp1:
0x1c: {  	[tilespmem:s25+$0x8120] =	vst v0;
	(pc) =	sbr.rel @p1 .LBB2_3-.Ltmp1, $4  }
0x1d: {  	[tilespmem:s25+$0x8130] =	vst v0  }
0x1e: {  	[tilespmem:s25+$0x8140] =	vst v0  }
0x1f: {  	[tilespmem:s25+$0x8150] =	vst v0  }
0x20: {  	[tilespmem:s25+$0x8160] =	vst v0;
	s25 =	sshra.s32 s26, $0x2;
	s26 =	sadd.s32 $0x200, s26  }
0x21: {  	[tilespmem:s25+$0x8170] =	vst v0  }
0x22: {  	[tilespmem:s25+$0x8100] =	vst v0  }
0x23: {  	[tilespmem:s25+$0x8110] =	vst v0  }
0x24: {  	[tilespmem:s25+$0x8120] =	vst v0  }
0x25: {  	[tilespmem:s25+$0x8130] =	vst v0  }
0x26: {  	[tilespmem:s25+$0x8140] =	vst v0  }
0x27: {  	[tilespmem:s25+$0x8150] =	vst v0  }
0x28: {  	[tilespmem:s25+$0x8160] =	vst v0  }
0x29: {  	[spmem:s2] =	stream.linear.scatter [tilespmem:s15], [sflag:$0x5], $0x2000, $0x38;
	[tilespmem:$0xA300] =	vst v63  }
0x2a: {  	_ =	swait.ge [sflag:s16], $0x2000  }
0x2b: {  	[sflag:s16] =	ssyncset.done $0x0  }
0x2c: {  	[sflag:s16] =	ssyncadd.s32 $0xFFFFE000  }
.LBB2_5:
0x2d: {  	[bflag:$0x0] =	sbarrier.arrive $0xFFFF;
	s25 =	simm.s32 $0x0  }
0x2e: {  	[tilespmem:s25], [sflag:$0x3] =	stream.linear.gather [hbm4b:s4+s25], $0x80, $0x38;
	[tilespmem:$0xA300] =	vst v63  }
0x2f: {  	_ = 	snop  }
0x30: {  	[tilespmem:s17], [sflag:$0x1] =	stream.linear.gather [hbm4b:s5+s25], $0x4000, $0x38;
	[tilespmem:$0xA300] =	vst v63  }
0x31: {  	_ = 	snop  }
0x32: {  	[tilespmem:s18], [sflag:$0x4] =	stream.linear.gather [hbm4b:s6+s25], $0x80, $0x38;
	[tilespmem:$0xA300] =	vst v63  }
0x33: {  	_ = 	snop  }
0x34: {  	[tilespmem:s19], [sflag:$0x2] =	stream.linear.gather [hbm4b:s7+s25], $0x4000, $0x38;
	[tilespmem:$0xA300] =	vst v63  }
0x35: {  	_ =	swait.ge [sflag:s20], $0x80  }
0x36: {  	[sflag:s20] =	ssyncset.done $0x0  }
0x37: {  	[sflag:s20] =	ssyncadd.s32 $0xFFFFFF80  }
0x38: {  	_ =	swait.ge [sflag:s21], $0x4000  }
0x39: {  	[sflag:s21] =	ssyncset.done $0x0  }
0x3a: {  	[sflag:s21] =	ssyncadd.s32 $0xFFFFC000  }
0x3b: {  	[spmem:s2] =	stream.indirect.scatter.add.f32 [tilespmem:s17], [sflag:$0x5], $0x80, s3, s18, $0xb8;
	[tilespmem:$0xA300] =	vst v63  }
0x3c: {  	_ =	swait.ge [sflag:s16], $0x4000  }
0x3d: {  	s26 =	sshrl.u32 s14, $0x3;
	[sflag:s16] =	ssyncset.done $0x0  }
0x3e: {  	s25 =	sadd.s32 s0, s26;
	[sflag:s16] =	ssyncadd.s32 $0xFFFFC000  }
0x3f: {  	[tilespmem:s3], [sflag:$0x3] =	stream.linear.gather [hbm4b:s25+s3], $0x80, $0x38;
	[tilespmem:$0xA300] =	vst v63  }
0x40: {  	s30 =	sadd.s32 $0xFFFFF800, s12  }
0x41: {  	[tilespmem:s17], [sflag:$0x1] =	stream.linear.gather [hbm4b:s30+s3], $0x4000, $0x38;
	[tilespmem:$0xA300] =	vst v63  }
0x42: {  	_ =	swait.ge [sflag:s22], $0x80  }
0x43: {  	[sflag:s22] =	ssyncset.done $0x0  }
0x44: {  	[sflag:s22] =	ssyncadd.s32 $0xFFFFFF80  }
0x45: {  	_ =	swait.ge [sflag:s23], $0x4000  }
0x46: {  	[sflag:s23] =	ssyncset.done $0x0  }
0x47: {  	[sflag:s23] =	ssyncadd.s32 $0xFFFFC000  }
0x48: {  	[spmem:s2] =	stream.indirect.scatter.add.f32 [tilespmem:s19], [sflag:$0x5], $0x80, s18, s18, $0xb8;
	[tilespmem:$0xA300] =	vst v63  }
0x49: {  	s31 =	sadd.s32 $0x0, s13;
	_ =	swait.ge [sflag:s16], $0x4000  }
0x4a: {  	s28 =	sadd.s32 $0x100, s14;
	s29 =	smov.u32 s12;
	[sflag:s16] =	ssyncset.done $0x0  }
0x4b: {  	s26 =	sadd.s32 $0x1000, s12;
	s25 =	simm.s32 $0x20;
	[sflag:s16] =	ssyncadd.s32 $0xFFFFC000  }
0x4c: {  	[tilespmem:s18], [sflag:$0x4] =	stream.linear.gather [hbm4b:s31+s3], $0x80, $0x38;
	[tilespmem:$0xA300] =	vst v63  }
.LBB2_6:
0x4d: {  	[tilespmem:s19], [sflag:$0x2] =	stream.linear.gather [hbm4b:s29+s3], $0x4000, $0x38;
	[tilespmem:$0xA300] =	vst v63  }
0x4e: {  	s30 =	smov.u32 s25;
	s29 =	smov.u32 s26  }
0x4f: {  	p1 =	sne.s32 s25, $0x320;
	s25 =	sadd.s32 $0x20, s25;
	_ =	swait.ge [sflag:s20], $0x80  }
0x50: {  	[sflag:s20] =	ssyncset.done $0x0  }
0x51: {  	[sflag:s20] =	ssyncadd.s32 $0xFFFFFF80  }
0x52: {  	_ =	swait.ge [sflag:s21], $0x4000  }
0x53: {  	[sflag:s21] =	ssyncset.done $0x0  }
0x54: {  	[sflag:s21] =	ssyncadd.s32 $0xFFFFC000  }
0x55: {  	[spmem:s2] =	stream.indirect.scatter.add.f32 [tilespmem:s17], [sflag:$0x5], $0x80, s3, s18, $0xb8;
	[tilespmem:$0xA300] =	vst v63  }
0x56: {  	_ =	swait.ge [sflag:s16], $0x4000  }
0x57: {  	s31 =	sshrl.u32 s28, $0x3;
	[sflag:s16] =	ssyncset.done $0x0  }
0x58: {  	s31 =	sadd.s32 s0, s31;
	[sflag:s16] =	ssyncadd.s32 $0xFFFFC000  }
0x59: {  	[tilespmem:s3], [sflag:$0x3] =	stream.linear.gather [hbm4b:s31+s3], $0x80, $0x38;
	[tilespmem:$0xA300] =	vst v63  }
0x5a: {  	s31 =	sadd.s32 $0xFFFFF800, s26  }
0x5b: {  	[tilespmem:s17], [sflag:$0x1] =	stream.linear.gather [hbm4b:s31+s3], $0x4000, $0x38;
	[tilespmem:$0xA300] =	vst v63  }
0x5c: {  	_ =	swait.ge [sflag:s22], $0x80  }
0x5d: {  	[sflag:s22] =	ssyncset.done $0x0  }
0x5e: {  	[sflag:s22] =	ssyncadd.s32 $0xFFFFFF80  }
0x5f: {  	_ =	swait.ge [sflag:s23], $0x4000  }
0x60: {  	[sflag:s23] =	ssyncset.done $0x0  }
0x61: {  	[sflag:s23] =	ssyncadd.s32 $0xFFFFC000  }
0x62: {  	[spmem:s2] =	stream.indirect.scatter.add.f32 [tilespmem:s19], [sflag:$0x5], $0x80, s18, s18, $0xb8;
	[tilespmem:$0xA300] =	vst v63  }
.Ltmp2:
0x63: {  	_ =	swait.ge [sflag:s16], $0x4000;
	(pc) =	sbr.rel @p1 .LBB2_6-.Ltmp2, $4  }
0x64: {  	[sflag:s16] =	ssyncset.done $0x0  }
0x65: {  	s30 =	sadd.s32 s30, s13;
	[sflag:s16] =	ssyncadd.s32 $0xFFFFC000  }
0x66: {  	[tilespmem:s18], [sflag:$0x4] =	stream.linear.gather [hbm4b:s30+s3], $0x80, $0x38;
	[tilespmem:$0xA300] =	vst v63  }
0x67: {  	s28 =	sadd.s32 $0x100, s28;
	s26 =	sadd.s32 $0x1000, s26  }
0x68: {  	[tilespmem:s19], [sflag:$0x2] =	stream.linear.gather [hbm4b:s29+s3], $0x4000, $0x38;
	[tilespmem:$0xA300] =	vst v63  }
0x69: {  	_ =	swait.ge [sflag:s20], $0x80  }
0x6a: {  	[sflag:s20] =	ssyncset.done $0x0  }
0x6b: {  	[sflag:s20] =	ssyncadd.s32 $0xFFFFFF80  }
0x6c: {  	_ =	swait.ge [sflag:s21], $0x4000  }
0x6d: {  	[sflag:s21] =	ssyncset.done $0x0  }
0x6e: {  	[sflag:s21] =	ssyncadd.s32 $0xFFFFC000  }
0x6f: {  	[spmem:s2] =	stream.indirect.scatter.add.f32 [tilespmem:s17], [sflag:$0x5], $0x80, s3, s18, $0xb8;
	[tilespmem:$0xA300] =	vst v63  }
0x70: {  	_ =	swait.ge [sflag:s16], $0x4000  }
0x71: {  	[sflag:s16] =	ssyncset.done $0x0  }
0x72: {  	[sflag:s16] =	ssyncadd.s32 $0xFFFFC000  }
0x73: {  	[tilespmem:s3], [sflag:$0x3] =	stream.linear.gather [hbm4b:s8+s3], $0x80, $0x38;
	[tilespmem:$0xA300] =	vst v63  }
0x74: {  	_ = 	snop  }
0x75: {  	[tilespmem:s17], [sflag:$0x1] =	stream.linear.gather [hbm4b:s9+s3], $0x4000, $0x38;
	[tilespmem:$0xA300] =	vst v63  }
0x76: {  	_ =	swait.ge [sflag:s22], $0x80  }
0x77: {  	[sflag:s22] =	ssyncset.done $0x0  }
0x78: {  	[sflag:s22] =	ssyncadd.s32 $0xFFFFFF80  }
0x79: {  	_ =	swait.ge [sflag:s23], $0x4000  }
0x7a: {  	[sflag:s23] =	ssyncset.done $0x0  }
0x7b: {  	[sflag:s23] =	ssyncadd.s32 $0xFFFFC000  }
0x7c: {  	[spmem:s2] =	stream.indirect.scatter.add.f32 [tilespmem:s19], [sflag:$0x5], $0x80, s18, s18, $0xb8;
	[tilespmem:$0xA300] =	vst v63  }
0x7d: {  	_ =	swait.ge [sflag:s16], $0x4000  }
0x7e: {  	[sflag:s16] =	ssyncset.done $0x0  }
0x7f: {  	[sflag:s16] =	ssyncadd.s32 $0xFFFFC000  }
0x80: {  	_ =	swait.ge [sflag:s20], $0x80  }
0x81: {  	[sflag:s20] =	ssyncset.done $0x0  }
0x82: {  	[sflag:s20] =	ssyncadd.s32 $0xFFFFFF80  }
0x83: {  	_ =	swait.ge [sflag:s21], $0x4000  }
0x84: {  	[sflag:s21] =	ssyncset.done $0x0  }
0x85: {  	[sflag:s21] =	ssyncadd.s32 $0xFFFFC000  }
0x86: {  	[spmem:s2] =	stream.indirect.scatter.add.f32 [tilespmem:s17], [sflag:$0x5], $0x80, s3, s18, $0xb8;
	[tilespmem:$0xA300] =	vst v63  }
0x87: {  	_ =	swait.ge [sflag:s16], $0x4000  }
0x88: {  	[sflag:s16] =	ssyncset.done $0x0  }
0x89: {  	s25 =	sshrl.u32 @!p0 s2, $0x3;
	s24 =	sadd.s32 $0x1, s24;
	[sflag:s16] =	ssyncadd.s32 $0xFFFFC000  }
0x8a: {  	s26 =	simm.s32 @!p0 $0x1C05;
	p1 =	sne.s32 s24, s11;
	[bflag:$0x0] =	sbarrier.arrive $0xFFFF  }
0x8b: {  	[hbm:s10], [sflag:s26] =	dma.local @!p0 [spmem:s25], $0x400  }
.Ltmp3:
0x8c: {  	_ = 	snop;
	(pc) =	sbr.rel @p1 .LBB2_1-.Ltmp3, $4  }
0x8d: {  	s25 =	simm.s32 @!p0 $0x5  }
0x8e: {  	_ =	swait.ge @!p0 [sflag:s25], $0x400  }
0x8f: {  	[sflag:s25] =	ssyncset.done @!p0 $0x0  }
0x90: {  	[sflag:s25] =	ssyncadd.s32 @!p0 $0xFFFFFC00  }
0x91: {  	_ =	sfence.sel $0x180000  }
0x92: {  	[bflag:$0x0] =	sbarrier.arrive $0xFFFF  }
0x93: {  	_ =	strace $0x90000047  }
0x94: {  	s0 =	sadd.s32 @!p0 $0x100000, s1;
	[bflag:$0x2] =	sbarrier.arrive $0xFFFF  }
0x95: {  	[sflag:s0] =	ssyncadd.tile.s32 @!p0 $0x1;
	_ =	shalt  }
.Lfunc_end2:
_tile_overlayer_lowered:
.L_overlay_start_2:
0x96: {  	(tag) =	ssettag $0x2  }
0x97: {  	s0 =	rddreg [dreg:$0x0];
	s2 =	stileid.u32  }
0x98: {  	s1 =	rddreg [dreg:$0x1];
	p0 =	sne.s32 s2, $0x0  }
0x99: {  	s3 =	rddreg [dreg:$0x2];
	[bflag:$0x3] =	sbarrier.arrive $0xFFFF;
	s2 =	simm.s32 @!p0 $0x1C05  }
0x9a: {  	[timem:s3], [sflag:s2] =	dma.local @!p0 [hbm:s0], s1  }
0x9b: {  	s0 =	simm.s32 @!p0 $0x5  }
0x9c: {  	_ =	swait.ge @!p0 [sflag:s0], s1  }
0x9d: {  	s1 =	ssub.s32 @!p0 $0x0, s1;
	[sflag:s0] =	ssyncset.done @!p0 $0x0  }
0x9e: {  	[sflag:s0] =	ssyncadd.s32 @!p0 s1  }
0x9f: {  	[bflag:$0x3] =	sbarrier.arrive $0xFFFF  }
0xa0: {  	_ =	shalt  }

</sc_bundles>
